<compile_context>
chip_gen: v7x
topology: tpu7x:2x2x1
jax: 0.10.2.dev20260603
libtpu: 0.0.44.dev20260713+nightly
codegen_flags: <defaults>
</compile_context>

<pallas_src>
import functools

import jax
import jax.numpy as jnp
from jax import lax
from jax.experimental import pallas as pl
from jax.experimental.pallas import tpu as pltpu
from jax.experimental.pallas import tpu_sc as plsc

NUM_FIELDS = 26
VOCAB = 100000
EMBED_DIM = 32
BATCH = 16384

N_ROWS = BATCH * NUM_FIELDS
NC, NS = 2, 16
NW = NC * NS
ROWS_PER_W = N_ROWS // NW
VREGS_PER_W = ROWS_PER_W // 16
FLUSH_VREGS = 32
FLUSHES = VREGS_PER_W // FLUSH_VREGS
WIN_T = 2048
TAIL_S = (VOCAB - 1) // WIN_T * WIN_T
TAIL_W = VOCAB - TAIL_S
TAIL_PAD = 1792
IROWS_PER_W = ROWS_PER_W // 4
CHUNK = 1024
CHUNKS2 = ROWS_PER_W // CHUNK

_mesh = plsc.VectorSubcoreMesh(core_axis_name="c", subcore_axis_name="s")


@functools.partial(
    pl.kernel,
    out_type=jax.ShapeDtypeStruct((N_ROWS // 4, 128), jnp.float32),
    mesh=_mesh,
    scratch_types=[
        pltpu.VMEM((ROWS_PER_W,), jnp.int32),
        pltpu.VMEM((32, WIN_T), jnp.float32),
        pltpu.VMEM((256, 128), jnp.float32),
        pltpu.SemaphoreType.DMA,
    ],
    compiler_params=pltpu.CompilerParams(
        use_tc_tiling_on_sc=True, needs_layout_passes=False
    ),
)
def _extract_kernel(tab_hbm, tail_hbm, srt_hbm, inter_hbm, items_v, wbuf, obuf, osem):
    wid = lax.axis_index("s") * NC + lax.axis_index("c")
    base = wid * ROWS_PER_W
    pltpu.sync_copy(srt_hbm.at[pl.ds(base, ROWS_PER_W)], items_v)

    iota = lax.iota(jnp.int32, 16)
    zeros16 = jnp.zeros((16,), jnp.int32)

    def flush_group(f, st):
        fpar = lax.rem(f, 2)

        @pl.when(f >= 2)
        def _():
            pltpu.make_async_copy(
                inter_hbm.at[pl.ds(0, 128)], obuf.at[pl.ds(0, 128)], osem
            ).wait()

        def vreg(v2, st2):
            v = f * FLUSH_VREGS + v2
            lanes = v * 16 + iota
            pk = plsc.load_gather(items_v, [lanes])
            fld = lax.div(base + v * 16, BATCH)
            t = lax.shift_right_logical(pk, 14)
            slot = v2 * 16 + iota
            orow = fpar * 128 + lax.shift_right_logical(slot, 2)
            ocol0 = lax.bitwise_and(slot, 3) * EMBED_DIM

            def wcond(st3):
                m, _, _ = st3
                return jnp.any(m)

            def wbody(st3):
                m, s, fl = st3
                tmin = jnp.min(jnp.where(m, t, 1 << 29))
                need = (fl != fld) | (tmin >= s + WIN_T) | (tmin < s)
                new_s = jnp.where(
                    need,
                    lax.shift_left(lax.shift_right_logical(tmin, 11), 11),
                    s,
                )

                @pl.when(need & (new_s != TAIL_S))
                def _():
                    pltpu.sync_copy(
                        tab_hbm.at[fld, :, pl.ds(pl.multiple_of(new_s, 2048), WIN_T)],
                        wbuf
                    )

                @pl.when(need & (new_s == TAIL_S))
                def _():
                    pltpu.sync_copy(
                        tail_hbm.at[fld],
                        wbuf.at[:, pl.ds(0, TAIL_PAD)],
                    )

                inwin = m & (t >= new_s) & (t < new_s + WIN_T)
                tloc = t - new_s
                for d in range(EMBED_DIM):
                    vals = plsc.load_gather(
                        wbuf, [zeros16 + d, tloc], mask=inwin
                    )
                    plsc.store_scatter(
                        obuf, [orow, ocol0 + d], vals, mask=inwin
                    )
                return (m & ~inwin, new_s, jnp.where(need, fld, fl))

            m0 = iota < 16
            _, s_out, fl_out = lax.while_loop(wcond, wbody, (m0,) + st2)
            return (s_out, fl_out)

        st = lax.fori_loop(0, FLUSH_VREGS, vreg, st)
        pltpu.async_copy(
            obuf.at[pl.ds(fpar * 128, 128)],
            inter_hbm.at[pl.ds(wid * IROWS_PER_W + f * 128, 128)],
            osem,
        )
        return st

    lax.fori_loop(0, FLUSHES, flush_group,
                  (jnp.full((), 0, jnp.int32), jnp.full((), -1, jnp.int32)))

    for _ in range(2):
        pltpu.make_async_copy(
            inter_hbm.at[pl.ds(0, 128)], obuf.at[pl.ds(0, 128)], osem
        ).wait()


@functools.partial(
    pl.kernel,
    out_type=jax.ShapeDtypeStruct((N_ROWS, EMBED_DIM), jnp.float32),
    mesh=_mesh,
    scratch_types=[
        pltpu.VMEM((2 * CHUNK,), jnp.int32),
        pltpu.VMEM((2 * CHUNK, EMBED_DIM), jnp.float32),
        pltpu.VMEM((16, 128), jnp.int32),
        pltpu.SemaphoreType.DMA,
        pltpu.SemaphoreType.DMA,
    ],
    compiler_params=pltpu.CompilerParams(
        use_tc_tiling_on_sc=False, needs_layout_passes=False
    ),
)
def _scatter_kernel(inter_hbm, srt_hbm, out_hbm, pk_v, rbuf, rid_v, rsem, osem):
    wid = lax.axis_index("s") * NC + lax.axis_index("c")
    base = wid * ROWS_PER_W

    iota = lax.iota(jnp.int32, 16)

    def issue_reads(c, par):
        pltpu.async_copy(
            srt_hbm.at[pl.ds(base + c * CHUNK, CHUNK)],
            pk_v.at[pl.ds(par * CHUNK, CHUNK)],
            rsem,
        )
        pltpu.async_copy(
            inter_hbm.at[pl.ds(base + c * CHUNK, CHUNK)],
            rbuf.at[pl.ds(par * CHUNK, CHUNK)],
            rsem,
        )

    issue_reads(0, 0)

    def chunk(c, carry):
        par = lax.rem(c, 2)

        pltpu.make_async_copy(
            srt_hbm.at[pl.ds(0, CHUNK)], pk_v.at[pl.ds(0, CHUNK)], rsem
        ).wait()
        pltpu.make_async_copy(
            inter_hbm.at[pl.ds(0, CHUNK)], rbuf.at[pl.ds(0, CHUNK)], rsem
        ).wait()

        @pl.when(c >= 2)
        def _():
            for _ in range(8):
                pltpu.make_async_copy(
                    inter_hbm.at[pl.ds(0, 128)],
                    rbuf.at[pl.ds(0, 128)],
                    osem,
                ).wait()

        @pl.when(c + 1 < CHUNKS2)
        def _():
            issue_reads(c + 1, 1 - par)

        fld = lax.div(base + c * CHUNK, BATCH)

        def rvreg(v, carry2):
            off = par * CHUNK + v * 16 + iota
            pkv = plsc.load_gather(pk_v, [off])
            rid = lax.bitwise_and(pkv, BATCH - 1) * NUM_FIELDS + fld
            row = par * 8 + lax.div(v, 8)
            col = lax.rem(v, 8) * 16 + iota
            plsc.store_scatter(
                rid_v, [row + jnp.zeros((16,), jnp.int32), col], rid
            )
            return carry2

        lax.fori_loop(0, CHUNK // 16, rvreg, 0)

        for j in range(8):
            pltpu.async_copy(
                rbuf.at[pl.ds(par * CHUNK + j * 128, 128)],
                out_hbm.at[rid_v.at[par * 8 + j]],
                osem,
            )
        return carry

    lax.fori_loop(0, CHUNKS2, chunk, 0)

    for _ in range(16):
        pltpu.make_async_copy(
            inter_hbm.at[pl.ds(0, 128)], rbuf.at[pl.ds(0, 128)], osem
        ).wait()


def kernel(inputs, tables):
    ii = inputs.astype(jnp.int32)
    packed = ii.T * BATCH + jnp.arange(BATCH, dtype=jnp.int32)[None, :]
    srt = jnp.sort(packed, axis=-1).reshape(N_ROWS)
    tab_t = jnp.transpose(tables, (0, 2, 1))
    tail_t = jnp.pad(
        tab_t[:, :, TAIL_S:], ((0, 0), (0, 0), (0, TAIL_PAD - TAIL_W))
    )
    inter = _extract_kernel(tab_t, tail_t, srt)
    inter2 = inter.reshape(N_ROWS, EMBED_DIM)
    out = _scatter_kernel(inter2, srt)
    return out.reshape(BATCH, NUM_FIELDS * EMBED_DIM)

# --- scband reference (transcript-rebuilt; emitter-appended) ---
"""Pipeline reference for scband-embedding-41472204210469 (READ-ONLY COPY).

The authoritative reference and input builder live on the scoring server;
editing this copy changes nothing except your own understanding.
"""

import jax, jax.numpy as jnp
import numpy as np

NUM_FIELDS = 26
VOCAB = 100000
EMBED_DIM = 32
BATCH = 16384


def setup_inputs(seed: int = 0) -> dict:
    key = jax.random.key(seed)
    k_idx, k_tab = jax.random.split(key)
    inputs = jax.random.randint(k_idx, (BATCH, NUM_FIELDS), 0, VOCAB, dtype=jnp.int64 if jax.config.jax_enable_x64 else jnp.int32)
    # one embedding table per categorical field, stacked: [NUM_FIELDS, VOCAB, EMBED_DIM]
    tables = jax.random.normal(k_tab, (NUM_FIELDS, VOCAB, EMBED_DIM), dtype=jnp.float32) * 0.05
    return {"inputs": inputs, "tables": tables}


def reference(inputs, tables):
    # Faithful translation of Embedding.forward:
    # per-field embedding lookup, then concat along feature axis.
    # Dropout p=0.0 (eval) -> identity.
    embedded_features = []
    for i in range(NUM_FIELDS):
        feature = inputs[:, i]                      # [B]
        emb = jnp.take(tables[i], feature, axis=0)  # [B, EMBED_DIM]
        embedded_features.append(emb)
    out = jnp.concatenate(embedded_features, axis=1)  # [B, NUM_FIELDS*EMBED_DIM]
    return out

if __name__ == "__main__":
    import jax
    _d = setup_inputs()
    print(jax.jit(kernel)(*tuple(_d.values())))

</pallas_src>

<mosaic_0001>
#map = affine_map<(d0, d1) -> (0, 0)>
#map1 = affine_map<(d0, d1) -> (0)>
module attributes {stable_mosaic.version = 14 : i64} {
  func.func @_scatter_kernel(%arg0: i32, %arg1: i32, %arg2: memref<425984x32xf32, #tpu.memory_space<hbm>>, %arg3: memref<425984xi32, #tpu.memory_space<hbm>>, %arg4: memref<425984x32xf32, #tpu.memory_space<hbm>>, %arg5: memref<2048xi32, #tpu.memory_space<vmem>>, %arg6: memref<2048x32xf32, #tpu.memory_space<vmem>>, %arg7: memref<16x128xi32, #tpu.memory_space<vmem>>, %arg8: memref<!tpu.dma_semaphore, #tpu.memory_space<semaphore_mem>>, %arg9: memref<!tpu.dma_semaphore, #tpu.memory_space<semaphore_mem>>) attributes {dimension_semantics = [#tpu.dimension_semantics<core_parallel>, #tpu.dimension_semantics<subcore_parallel>], iteration_bounds = array<i64: 2, 16>, scalar_prefetch = 0 : i64, scratch_operands = 5 : i64, tpu.core_type = #tpu.core_type<sc_vector_subcore>, window_params = [{transform_indices = #map}, {transform_indices = #map1}, {transform_indices = #map}]} {
    %mul3A = arith.constant 2 : i32
    %mul3A_0 = arith.muli %arg1, %mul3A : i32
    %add3A = arith.addi %mul3A_0, %arg0 : i32
    %mul3A_1 = arith.constant 13312 : i32
    %mul3A_2 = arith.muli %add3A, %mul3A_1 : i32
    %iota3A = tpu.iota {dimensions = array<i32: 0>} : vector<16xi32>
    %add3A_3 = arith.constant 0 : i32
    %add3A_4 = arith.addi %mul3A_2, %add3A_3 : i32
    %dma_start3A = arith.constant 0 : i32
    %dma_start3A_5 = tpu.memref_slice %arg5[%dma_start3A] : memref<2048xi32, #tpu.memory_space<vmem>> -> memref<1024xi32, #tpu.memory_space<vmem>>
    %dma_start3A_6 = tpu.memref_slice %arg3[%add3A_4] : memref<425984xi32, #tpu.memory_space<hbm>> -> memref<1024xi32, #tpu.memory_space<hbm>>
    %dma_start3A_7 = arith.constant 0 : i32
    %dma_start3A_8 = tpu.memref_slice %arg5[%dma_start3A_7] : memref<2048xi32, #tpu.memory_space<vmem>> -> memref<1024xi32, #tpu.memory_space<vmem>>
    %dma_start3A_9 = tpu.memref_slice %arg3[%add3A_4] : memref<425984xi32, #tpu.memory_space<hbm>> -> memref<1024xi32, #tpu.memory_space<hbm>>
    tpu.enqueue_dma source(%dma_start3A_9 : memref<1024xi32, #tpu.memory_space<hbm>>) target(%dma_start3A_8 : memref<1024xi32, #tpu.memory_space<vmem>>) target_semaphore(%arg8 : memref<!tpu.dma_semaphore, #tpu.memory_space<semaphore_mem>>)
    %add3A_10 = arith.constant 0 : i32
    %add3A_11 = arith.addi %mul3A_2, %add3A_10 : i32
    %dma_start3A_12 = arith.constant 0 : i32
    %dma_start3A_13 = arith.constant 0 : i32
    %dma_start3A_14 = tpu.memref_slice %arg6[%dma_start3A_12, %dma_start3A_13] : memref<2048x32xf32, #tpu.memory_space<vmem>> -> memref<1024x32xf32, #tpu.memory_space<vmem>>
    %dma_start3A_15 = arith.constant 0 : i32
    %dma_start3A_16 = tpu.memref_slice %arg2[%add3A_11, %dma_start3A_15] : memref<425984x32xf32, #tpu.memory_space<hbm>> -> memref<1024x32xf32, #tpu.memory_space<hbm>>
    %dma_start3A_17 = arith.constant 0 : i32
    %dma_start3A_18 = arith.constant 0 : i32
    %dma_start3A_19 = tpu.memref_slice %arg6[%dma_start3A_17, %dma_start3A_18] : memref<2048x32xf32, #tpu.memory_space<vmem>> -> memref<1024x32xf32, #tpu.memory_space<vmem>>
    %dma_start3A_20 = arith.constant 0 : i32
    %dma_start3A_21 = tpu.memref_slice %arg2[%add3A_11, %dma_start3A_20] : memref<425984x32xf32, #tpu.memory_space<hbm>> -> memref<1024x32xf32, #tpu.memory_space<hbm>>
    tpu.enqueue_dma source(%dma_start3A_21 : memref<1024x32xf32, #tpu.memory_space<hbm>>) target(%dma_start3A_19 : memref<1024x32xf32, #tpu.memory_space<vmem>>) target_semaphore(%arg8 : memref<!tpu.dma_semaphore, #tpu.memory_space<semaphore_mem>>)
    %scan3A = arith.constant 0 : i32
    %scan3A_22 = arith.constant 0 : i32
    %scan3A_23 = arith.constant 13 : i32
    %scan3A_24 = arith.addi %scan3A_22, %scan3A_23 : i32
    %scan3A_25 = arith.constant 1 : i32
    scf.for %scan3A_218 = %scan3A_22 to %scan3A_24 step %scan3A_25  : i32 {
      %rem3A = arith.constant 2 : i32
      %rem3A_219 = arith.remsi %scan3A_218, %rem3A : i32
      %dma_wait3A_220 = arith.constant 0 : i32
      %dma_wait3A_221 = tpu.memref_slice %arg5[%dma_wait3A_220] : memref<2048xi32, #tpu.memory_space<vmem>> -> memref<1024xi32, #tpu.memory_space<vmem>>
      %dma_wait3A_222 = arith.constant 0 : i32
      %dma_wait3A_223 = tpu.memref_slice %arg3[%dma_wait3A_222] : memref<425984xi32, #tpu.memory_space<hbm>> -> memref<1024xi32, #tpu.memory_space<hbm>>
      %dma_wait3A_224 = arith.constant 0 : i32
      %dma_wait3A_225 = tpu.memref_slice %arg5[%dma_wait3A_224] : memref<2048xi32, #tpu.memory_space<vmem>> -> memref<1024xi32, #tpu.memory_space<vmem>>
      %dma_wait3A_226 = arith.constant 0 : i32
      %dma_wait3A_227 = tpu.memref_slice %arg3[%dma_wait3A_226] : memref<425984xi32, #tpu.memory_space<hbm>> -> memref<1024xi32, #tpu.memory_space<hbm>>
      tpu.wait_dma2 semaphore(%arg8 : memref<!tpu.dma_semaphore, #tpu.memory_space<semaphore_mem>>) src(%dma_wait3A_227 : memref<1024xi32, #tpu.memory_space<hbm>>) dst(%dma_wait3A_225 : memref<1024xi32, #tpu.memory_space<vmem>>)
      %dma_wait3A_228 = arith.constant 0 : i32
      %dma_wait3A_229 = arith.constant 0 : i32
      %dma_wait3A_230 = tpu.memref_slice %arg6[%dma_wait3A_228, %dma_wait3A_229] : memref<2048x32xf32, #tpu.memory_space<vmem>> -> memref<1024x32xf32, #tpu.memory_space<vmem>>
      %dma_wait3A_231 = arith.constant 0 : i32
      %dma_wait3A_232 = arith.constant 0 : i32
      %dma_wait3A_233 = tpu.memref_slice %arg2[%dma_wait3A_231, %dma_wait3A_232] : memref<425984x32xf32, #tpu.memory_space<hbm>> -> memref<1024x32xf32, #tpu.memory_space<hbm>>
      %dma_wait3A_234 = arith.constant 0 : i32
      %dma_wait3A_235 = arith.constant 0 : i32
      %dma_wait3A_236 = tpu.memref_slice %arg6[%dma_wait3A_234, %dma_wait3A_235] : memref<2048x32xf32, #tpu.memory_space<vmem>> -> memref<1024x32xf32, #tpu.memory_space<vmem>>
      %dma_wait3A_237 = arith.constant 0 : i32
      %dma_wait3A_238 = arith.constant 0 : i32
      %dma_wait3A_239 = tpu.memref_slice %arg2[%dma_wait3A_237, %dma_wait3A_238] : memref<425984x32xf32, #tpu.memory_space<hbm>> -> memref<1024x32xf32, #tpu.memory_space<hbm>>
      tpu.wait_dma2 semaphore(%arg8 : memref<!tpu.dma_semaphore, #tpu.memory_space<semaphore_mem>>) src(%dma_wait3A_239 : memref<1024x32xf32, #tpu.memory_space<hbm>>) dst(%dma_wait3A_236 : memref<1024x32xf32, #tpu.memory_space<vmem>>)
      %ge3A = arith.constant 2 : i32
      %ge3A_240 = arith.cmpi sge, %scan3A_218, %ge3A : i32
      %convert_element_type3A = arith.extui %ge3A_240 : i1 to i32
      %cond3A = arith.constant 0 : i32
      %cond3A_241 = arith.cmpi ne, %convert_element_type3A, %cond3A : i32
      scf.if %cond3A_241 {
        %dma_wait3A_386 = arith.constant 0 : i32
        %dma_wait3A_387 = arith.constant 0 : i32
        %dma_wait3A_388 = tpu.memref_slice %arg6[%dma_wait3A_386, %dma_wait3A_387] : memref<2048x32xf32, #tpu.memory_space<vmem>> -> memref<128x32xf32, #tpu.memory_space<vmem>>
        %dma_wait3A_389 = arith.constant 0 : i32
        %dma_wait3A_390 = arith.constant 0 : i32
        %dma_wait3A_391 = tpu.memref_slice %arg2[%dma_wait3A_389, %dma_wait3A_390] : memref<425984x32xf32, #tpu.memory_space<hbm>> -> memref<128x32xf32, #tpu.memory_space<hbm>>
        %dma_wait3A_392 = arith.constant 0 : i32
        %dma_wait3A_393 = arith.constant 0 : i32
        %dma_wait3A_394 = tpu.memref_slice %arg6[%dma_wait3A_392, %dma_wait3A_393] : memref<2048x32xf32, #tpu.memory_space<vmem>> -> memref<128x32xf32, #tpu.memory_space<vmem>>
        %dma_wait3A_395 = arith.constant 0 : i32
        %dma_wait3A_396 = arith.constant 0 : i32
        %dma_wait3A_397 = tpu.memref_slice %arg2[%dma_wait3A_395, %dma_wait3A_396] : memref<425984x32xf32, #tpu.memory_space<hbm>> -> memref<128x32xf32, #tpu.memory_space<hbm>>
        tpu.wait_dma2 semaphore(%arg9 : memref<!tpu.dma_semaphore, #tpu.memory_space<semaphore_mem>>) src(%dma_wait3A_397 : memref<128x32xf32, #tpu.memory_space<hbm>>) dst(%dma_wait3A_394 : memref<128x32xf32, #tpu.memory_space<vmem>>)
        %dma_wait3A_398 = arith.constant 0 : i32
        %dma_wait3A_399 = arith.constant 0 : i32
        %dma_wait3A_400 = tpu.memref_slice %arg6[%dma_wait3A_398, %dma_wait3A_399] : memref<2048x32xf32, #tpu.memory_space<vmem>> -> memref<128x32xf32, #tpu.memory_space<vmem>>
        %dma_wait3A_401 = arith.constant 0 : i32
        %dma_wait3A_402 = arith.constant 0 : i32
        %dma_wait3A_403 = tpu.memref_slice %arg2[%dma_wait3A_401, %dma_wait3A_402] : memref<425984x32xf32, #tpu.memory_space<hbm>> -> memref<128x32xf32, #tpu.memory_space<hbm>>
        %dma_wait3A_404 = arith.constant 0 : i32
        %dma_wait3A_405 = arith.constant 0 : i32
        %dma_wait3A_406 = tpu.memref_slice %arg6[%dma_wait3A_404, %dma_wait3A_405] : memref<2048x32xf32, #tpu.memory_space<vmem>> -> memref<128x32xf32, #tpu.memory_space<vmem>>
        %dma_wait3A_407 = arith.constant 0 : i32
        %dma_wait3A_408 = arith.constant 0 : i32
        %dma_wait3A_409 = tpu.memref_slice %arg2[%dma_wait3A_407, %dma_wait3A_408] : memref<425984x32xf32, #tpu.memory_space<hbm>> -> memref<128x32xf32, #tpu.memory_space<hbm>>
        tpu.wait_dma2 semaphore(%arg9 : memref<!tpu.dma_semaphore, #tpu.memory_space<semaphore_mem>>) src(%dma_wait3A_409 : memref<128x32xf32, #tpu.memory_space<hbm>>) dst(%dma_wait3A_406 : memref<128x32xf32, #tpu.memory_space<vmem>>)
        %dma_wait3A_410 = arith.constant 0 : i32
        %dma_wait3A_411 = arith.constant 0 : i32
        %dma_wait3A_412 = tpu.memref_slice %arg6[%dma_wait3A_410, %dma_wait3A_411] : memref<2048x32xf32, #tpu.memory_space<vmem>> -> memref<128x32xf32, #tpu.memory_space<vmem>>
        %dma_wait3A_413 = arith.constant 0 : i32
        %dma_wait3A_414 = arith.constant 0 : i32
        %dma_wait3A_415 = tpu.memref_slice %arg2[%dma_wait3A_413, %dma_wait3A_414] : memref<425984x32xf32, #tpu.memory_space<hbm>> -> memref<128x32xf32, #tpu.memory_space<hbm>>
        %dma_wait3A_416 = arith.constant 0 : i32
        %dma_wait3A_417 = arith.constant 0 : i32
        %dma_wait3A_418 = tpu.memref_slice %arg6[%dma_wait3A_416, %dma_wait3A_417] : memref<2048x32xf32, #tpu.memory_space<vmem>> -> memref<128x32xf32, #tpu.memory_space<vmem>>
        %dma_wait3A_419 = arith.constant 0 : i32
        %dma_wait3A_420 = arith.constant 0 : i32
        %dma_wait3A_421 = tpu.memref_slice %arg2[%dma_wait3A_419, %dma_wait3A_420] : memref<425984x32xf32, #tpu.memory_space<hbm>> -> memref<128x32xf32, #tpu.memory_space<hbm>>
        tpu.wait_dma2 semaphore(%arg9 : memref<!tpu.dma_semaphore, #tpu.memory_space<semaphore_mem>>) src(%dma_wait3A_421 : memref<128x32xf32, #tpu.memory_space<hbm>>) dst(%dma_wait3A_418 : memref<128x32xf32, #tpu.memory_space<vmem>>)
        %dma_wait3A_422 = arith.constant 0 : i32
        %dma_wait3A_423 = arith.constant 0 : i32
        %dma_wait3A_424 = tpu.memref_slice %arg6[%dma_wait3A_422, %dma_wait3A_423] : memref<2048x32xf32, #tpu.memory_space<vmem>> -> memref<128x32xf32, #tpu.memory_space<vmem>>
        %dma_wait3A_425 = arith.constant 0 : i32
        %dma_wait3A_426 = arith.constant 0 : i32
        %dma_wait3A_427 = tpu.memref_slice %arg2[%dma_wait3A_425, %dma_wait3A_426] : memref<425984x32xf32, #tpu.memory_space<hbm>> -> memref<128x32xf32, #tpu.memory_space<hbm>>
        %dma_wait3A_428 = arith.constant 0 : i32
        %dma_wait3A_429 = arith.constant 0 : i32
        %dma_wait3A_430 = tpu.memref_slice %arg6[%dma_wait3A_428, %dma_wait3A_429] : memref<2048x32xf32, #tpu.memory_space<vmem>> -> memref<128x32xf32, #tpu.memory_space<vmem>>
        %dma_wait3A_431 = arith.constant 0 : i32
        %dma_wait3A_432 = arith.constant 0 : i32
        %dma_wait3A_433 = tpu.memref_slice %arg2[%dma_wait3A_431, %dma_wait3A_432] : memref<425984x32xf32, #tpu.memory_space<hbm>> -> memref<128x32xf32, #tpu.memory_space<hbm>>
        tpu.wait_dma2 semaphore(%arg9 : memref<!tpu.dma_semaphore, #tpu.memory_space<semaphore_mem>>) src(%dma_wait3A_433 : memref<128x32xf32, #tpu.memory_space<hbm>>) dst(%dma_wait3A_430 : memref<128x32xf32, #tpu.memory_space<vmem>>)
        %dma_wait3A_434 = arith.constant 0 : i32
        %dma_wait3A_435 = arith.constant 0 : i32
        %dma_wait3A_436 = tpu.memref_slice %arg6[%dma_wait3A_434, %dma_wait3A_435] : memref<2048x32xf32, #tpu.memory_space<vmem>> -> memref<128x32xf32, #tpu.memory_space<vmem>>
        %dma_wait3A_437 = arith.constant 0 : i32
        %dma_wait3A_438 = arith.constant 0 : i32
        %dma_wait3A_439 = tpu.memref_slice %arg2[%dma_wait3A_437, %dma_wait3A_438] : memref<425984x32xf32, #tpu.memory_space<hbm>> -> memref<128x32xf32, #tpu.memory_space<hbm>>
        %dma_wait3A_440 = arith.constant 0 : i32
        %dma_wait3A_441 = arith.constant 0 : i32
        %dma_wait3A_442 = tpu.memref_slice %arg6[%dma_wait3A_440, %dma_wait3A_441] : memref<2048x32xf32, #tpu.memory_space<vmem>> -> memref<128x32xf32, #tpu.memory_space<vmem>>
        %dma_wait3A_443 = arith.constant 0 : i32
        %dma_wait3A_444 = arith.constant 0 : i32
        %dma_wait3A_445 = tpu.memref_slice %arg2[%dma_wait3A_443, %dma_wait3A_444] : memref<425984x32xf32, #tpu.memory_space<hbm>> -> memref<128x32xf32, #tpu.memory_space<hbm>>
        tpu.wait_dma2 semaphore(%arg9 : memref<!tpu.dma_semaphore, #tpu.memory_space<semaphore_mem>>) src(%dma_wait3A_445 : memref<128x32xf32, #tpu.memory_space<hbm>>) dst(%dma_wait3A_442 : memref<128x32xf32, #tpu.memory_space<vmem>>)
        %dma_wait3A_446 = arith.constant 0 : i32
        %dma_wait3A_447 = arith.constant 0 : i32
        %dma_wait3A_448 = tpu.memref_slice %arg6[%dma_wait3A_446, %dma_wait3A_447] : memref<2048x32xf32, #tpu.memory_space<vmem>> -> memref<128x32xf32, #tpu.memory_space<vmem>>
        %dma_wait3A_449 = arith.constant 0 : i32
        %dma_wait3A_450 = arith.constant 0 : i32
        %dma_wait3A_451 = tpu.memref_slice %arg2[%dma_wait3A_449, %dma_wait3A_450] : memref<425984x32xf32, #tpu.memory_space<hbm>> -> memref<128x32xf32, #tpu.memory_space<hbm>>
        %dma_wait3A_452 = arith.constant 0 : i32
        %dma_wait3A_453 = arith.constant 0 : i32
        %dma_wait3A_454 = tpu.memref_slice %arg6[%dma_wait3A_452, %dma_wait3A_453] : memref<2048x32xf32, #tpu.memory_space<vmem>> -> memref<128x32xf32, #tpu.memory_space<vmem>>
        %dma_wait3A_455 = arith.constant 0 : i32
        %dma_wait3A_456 = arith.constant 0 : i32
        %dma_wait3A_457 = tpu.memref_slice %arg2[%dma_wait3A_455, %dma_wait3A_456] : memref<425984x32xf32, #tpu.memory_space<hbm>> -> memref<128x32xf32, #tpu.memory_space<hbm>>
        tpu.wait_dma2 semaphore(%arg9 : memref<!tpu.dma_semaphore, #tpu.memory_space<semaphore_mem>>) src(%dma_wait3A_457 : memref<128x32xf32, #tpu.memory_space<hbm>>) dst(%dma_wait3A_454 : memref<128x32xf32, #tpu.memory_space<vmem>>)
        %dma_wait3A_458 = arith.constant 0 : i32
        %dma_wait3A_459 = arith.constant 0 : i32
        %dma_wait3A_460 = tpu.memref_slice %arg6[%dma_wait3A_458, %dma_wait3A_459] : memref<2048x32xf32, #tpu.memory_space<vmem>> -> memref<128x32xf32, #tpu.memory_space<vmem>>
        %dma_wait3A_461 = arith.constant 0 : i32
        %dma_wait3A_462 = arith.constant 0 : i32
        %dma_wait3A_463 = tpu.memref_slice %arg2[%dma_wait3A_461, %dma_wait3A_462] : memref<425984x32xf32, #tpu.memory_space<hbm>> -> memref<128x32xf32, #tpu.memory_space<hbm>>
        %dma_wait3A_464 = arith.constant 0 : i32
        %dma_wait3A_465 = arith.constant 0 : i32
        %dma_wait3A_466 = tpu.memref_slice %arg6[%dma_wait3A_464, %dma_wait3A_465] : memref<2048x32xf32, #tpu.memory_space<vmem>> -> memref<128x32xf32, #tpu.memory_space<vmem>>
        %dma_wait3A_467 = arith.constant 0 : i32
        %dma_wait3A_468 = arith.constant 0 : i32
        %dma_wait3A_469 = tpu.memref_slice %arg2[%dma_wait3A_467, %dma_wait3A_468] : memref<425984x32xf32, #tpu.memory_space<hbm>> -> memref<128x32xf32, #tpu.memory_space<hbm>>
        tpu.wait_dma2 semaphore(%arg9 : memref<!tpu.dma_semaphore, #tpu.memory_space<semaphore_mem>>) src(%dma_wait3A_469 : memref<128x32xf32, #tpu.memory_space<hbm>>) dst(%dma_wait3A_466 : memref<128x32xf32, #tpu.memory_space<vmem>>)
        %dma_wait3A_470 = arith.constant 0 : i32
        %dma_wait3A_471 = arith.constant 0 : i32
        %dma_wait3A_472 = tpu.memref_slice %arg6[%dma_wait3A_470, %dma_wait3A_471] : memref<2048x32xf32, #tpu.memory_space<vmem>> -> memref<128x32xf32, #tpu.memory_space<vmem>>
        %dma_wait3A_473 = arith.constant 0 : i32
        %dma_wait3A_474 = arith.constant 0 : i32
        %dma_wait3A_475 = tpu.memref_slice %arg2[%dma_wait3A_473, %dma_wait3A_474] : memref<425984x32xf32, #tpu.memory_space<hbm>> -> memref<128x32xf32, #tpu.memory_space<hbm>>
        %dma_wait3A_476 = arith.constant 0 : i32
        %dma_wait3A_477 = arith.constant 0 : i32
        %dma_wait3A_478 = tpu.memref_slice %arg6[%dma_wait3A_476, %dma_wait3A_477] : memref<2048x32xf32, #tpu.memory_space<vmem>> -> memref<128x32xf32, #tpu.memory_space<vmem>>
        %dma_wait3A_479 = arith.constant 0 : i32
        %dma_wait3A_480 = arith.constant 0 : i32
        %dma_wait3A_481 = tpu.memref_slice %arg2[%dma_wait3A_479, %dma_wait3A_480] : memref<425984x32xf32, #tpu.memory_space<hbm>> -> memref<128x32xf32, #tpu.memory_space<hbm>>
        tpu.wait_dma2 semaphore(%arg9 : memref<!tpu.dma_semaphore, #tpu.memory_space<semaphore_mem>>) src(%dma_wait3A_481 : memref<128x32xf32, #tpu.memory_space<hbm>>) dst(%dma_wait3A_478 : memref<128x32xf32, #tpu.memory_space<vmem>>)
      } else {
      }
      %add3A_242 = arith.constant 1 : i32
      %add3A_243 = arith.addi %scan3A_218, %add3A_242 : i32
      %lt3A = arith.constant 13 : i32
      %lt3A_244 = arith.cmpi slt, %add3A_243, %lt3A : i32
      %convert_element_type3A_245 = arith.extui %lt3A_244 : i1 to i32
      %cond3A_246 = arith.constant 0 : i32
      %cond3A_247 = arith.cmpi ne, %convert_element_type3A_245, %cond3A_246 : i32
      scf.if %cond3A_247 {
        %add3A_386 = arith.constant 1 : i32
        %add3A_387 = arith.addi %scan3A_218, %add3A_386 : i32
        %sub3A = arith.constant 1 : i32
        %sub3A_388 = arith.subi %sub3A, %rem3A_219 : i32
        %mul3A_389 = arith.constant 1024 : i32
        %mul3A_390 = arith.muli %add3A_387, %mul3A_389 : i32
        %add3A_391 = arith.addi %mul3A_2, %mul3A_390 : i32
        %mul3A_392 = arith.constant 1024 : i32
        %mul3A_393 = arith.muli %sub3A_388, %mul3A_392 : i32
        %dma_start3A_394 = tpu.memref_slice %arg5[%mul3A_393] : memref<2048xi32, #tpu.memory_space<vmem>> -> memref<1024xi32, #tpu.memory_space<vmem>>
        %dma_start3A_395 = tpu.memref_slice %arg3[%add3A_391] : memref<425984xi32, #tpu.memory_space<hbm>> -> memref<1024xi32, #tpu.memory_space<hbm>>
        %dma_start3A_396 = tpu.memref_slice %arg5[%mul3A_393] : memref<2048xi32, #tpu.memory_space<vmem>> -> memref<1024xi32, #tpu.memory_space<vmem>>
        %dma_start3A_397 = tpu.memref_slice %arg3[%add3A_391] : memref<425984xi32, #tpu.memory_space<hbm>> -> memref<1024xi32, #tpu.memory_space<hbm>>
        tpu.enqueue_dma source(%dma_start3A_397 : memref<1024xi32, #tpu.memory_space<hbm>>) target(%dma_start3A_396 : memref<1024xi32, #tpu.memory_space<vmem>>) target_semaphore(%arg8 : memref<!tpu.dma_semaphore, #tpu.memory_space<semaphore_mem>>)
        %mul3A_398 = arith.constant 1024 : i32
        %mul3A_399 = arith.muli %add3A_387, %mul3A_398 : i32
        %add3A_400 = arith.addi %mul3A_2, %mul3A_399 : i32
        %mul3A_401 = arith.constant 1024 : i32
        %mul3A_402 = arith.muli %sub3A_388, %mul3A_401 : i32
        %dma_start3A_403 = arith.constant 0 : i32
        %dma_start3A_404 = tpu.memref_slice %arg6[%mul3A_402, %dma_start3A_403] : memref<2048x32xf32, #tpu.memory_space<vmem>> -> memref<1024x32xf32, #tpu.memory_space<vmem>>
        %dma_start3A_405 = arith.constant 0 : i32
        %dma_start3A_406 = tpu.memref_slice %arg2[%add3A_400, %dma_start3A_405] : memref<425984x32xf32, #tpu.memory_space<hbm>> -> memref<1024x32xf32, #tpu.memory_space<hbm>>
        %dma_start3A_407 = arith.constant 0 : i32
        %dma_start3A_408 = tpu.memref_slice %arg6[%mul3A_402, %dma_start3A_407] : memref<2048x32xf32, #tpu.memory_space<vmem>> -> memref<1024x32xf32, #tpu.memory_space<vmem>>
        %dma_start3A_409 = arith.constant 0 : i32
        %dma_start3A_410 = tpu.memref_slice %arg2[%add3A_400, %dma_start3A_409] : memref<425984x32xf32, #tpu.memory_space<hbm>> -> memref<1024x32xf32, #tpu.memory_space<hbm>>
        tpu.enqueue_dma source(%dma_start3A_410 : memref<1024x32xf32, #tpu.memory_space<hbm>>) target(%dma_start3A_408 : memref<1024x32xf32, #tpu.memory_space<vmem>>) target_semaphore(%arg8 : memref<!tpu.dma_semaphore, #tpu.memory_space<semaphore_mem>>)
      } else {
      }
      %mul3A_248 = arith.constant 1024 : i32
      %mul3A_249 = arith.muli %scan3A_218, %mul3A_248 : i32
      %add3A_250 = arith.addi %mul3A_2, %mul3A_249 : i32
      %div3A = arith.constant 16384 : i32
      %div3A_251 = arith.divsi %add3A_250, %div3A : i32
      %scan3A_252 = arith.constant 0 : i32
      %scan3A_253 = arith.constant 0 : i32
      %scan3A_254 = arith.constant 64 : i32
      %scan3A_255 = arith.addi %scan3A_253, %scan3A_254 : i32
      %scan3A_256 = arith.constant 1 : i32
      scf.for %scan3A_386 = %scan3A_253 to %scan3A_255 step %scan3A_256  : i32 {
        %mul3A_387 = arith.constant 1024 : i32
        %mul3A_388 = arith.muli %rem3A_219, %mul3A_387 : i32
        %mul3A_389 = arith.constant 16 : i32
        %mul3A_390 = arith.muli %scan3A_386, %mul3A_389 : i32
        %add3A_391 = arith.addi %mul3A_388, %mul3A_390 : i32
        %add3A_392 = vector.broadcast %add3A_391 : i32 to vector<16xi32>
        %add3A_393 = arith.addi %add3A_392, %iota3A : vector<16xi32>
        %gather3A = tpu.vector_load_idx %arg5[%add3A_393] : memref<2048xi32, #tpu.memory_space<vmem>>[vector<16xi32>], vector<16xi32>,
        %and3A = arith.constant 16383 : i32
        %and3A_394 = vector.broadcast %and3A : i32 to vector<16xi32>
        %and3A_395 = arith.andi %gather3A, %and3A_394 : vector<16xi32>
        %mul3A_396 = arith.constant 26 : i32
        %mul3A_397 = vector.broadcast %mul3A_396 : i32 to vector<16xi32>
        %mul3A_398 = arith.muli %and3A_395, %mul3A_397 : vector<16xi32>
        %add3A_399 = vector.broadcast %div3A_251 : i32 to vector<16xi32>
        %add3A_400 = arith.addi %mul3A_398, %add3A_399 : vector<16xi32>
        %mul3A_401 = arith.constant 8 : i32
        %mul3A_402 = arith.muli %rem3A_219, %mul3A_401 : i32
        %div3A_403 = arith.constant 8 : i32
        %div3A_404 = arith.divsi %scan3A_386, %div3A_403 : i32
        %add3A_405 = arith.addi %mul3A_402, %div3A_404 : i32
        %rem3A_406 = arith.constant 8 : i32
        %rem3A_407 = arith.remsi %scan3A_386, %rem3A_406 : i32
        %mul3A_408 = arith.constant 16 : i32
        %mul3A_409 = arith.muli %rem3A_407, %mul3A_408 : i32
        %add3A_410 = vector.broadcast %mul3A_409 : i32 to vector<16xi32>
        %add3A_411 = arith.addi %add3A_410, %iota3A : vector<16xi32>
        %broadcast_in_dim3A = arith.constant 0 : i32
        %broadcast_in_dim3A_412 = vector.broadcast %broadcast_in_dim3A : i32 to vector<16xi32>
        %add3A_413 = vector.broadcast %add3A_405 : i32 to vector<16xi32>
        %add3A_414 = arith.addi %add3A_413, %broadcast_in_dim3A_412 : vector<16xi32>
        tpu.vector_store_idx %arg7[%add3A_414, %add3A_411], %add3A_400 : memref<16x128xi32, #tpu.memory_space<vmem>>[vector<16xi32>, vector<16xi32>], vector<16xi32>,
      }
      %scan3A_257 = arith.constant 64 : i32
      %mul3A_258 = arith.constant 1024 : i32
      %mul3A_259 = arith.muli %rem3A_219, %mul3A_258 : i32
      %add3A_260 = arith.constant 0 : i32
      %add3A_261 = arith.addi %mul3A_259, %add3A_260 : i32
      %mul3A_262 = arith.constant 8 : i32
      %mul3A_263 = arith.muli %rem3A_219, %mul3A_262 : i32
      %add3A_264 = arith.constant 0 : i32
      %add3A_265 = arith.addi %mul3A_263, %add3A_264 : i32
      %dma_start3A_266 = arith.constant 0 : i32
      %dma_start3A_267 = tpu.memref_slice %arg6[%add3A_261, %dma_start3A_266] : memref<2048x32xf32, #tpu.memory_space<vmem>> -> memref<128x32xf32, #tpu.memory_space<vmem>>
      %dma_start3A_268 = arith.constant 0 : i32
      %dma_start3A_269 = tpu.memref_slice %arg7[%add3A_265, %dma_start3A_268] : memref<16x128xi32, #tpu.memory_space<vmem>> -> memref<1x128xi32, #tpu.memory_space<vmem>>
      %dma_start3A_270 = tpu.memref_squeeze %dma_start3A_269 : memref<1x128xi32, #tpu.memory_space<vmem>> -> memref<128xi32, #tpu.memory_space<vmem>>
      %dma_start3A_271 = arith.constant 0 : i32
      %dma_start3A_272 = arith.constant 0 : i32
      %dma_start3A_273 = tpu.memref_slice %arg4[%dma_start3A_271, %dma_start3A_272] : memref<425984x32xf32, #tpu.memory_space<hbm>> -> memref<425984x32xf32, #tpu.memory_space<hbm>>
      tpu.enqueue_indirect_dma source(%dma_start3A_267 : memref<128x32xf32, #tpu.memory_space<vmem>>) target(%dma_start3A_273 : memref<425984x32xf32, #tpu.memory_space<hbm>>) offsets(%dma_start3A_270 : memref<128xi32, #tpu.memory_space<vmem>>) semaphore(%arg9 : memref<!tpu.dma_semaphore, #tpu.memory_space<semaphore_mem>>)
      %mul3A_274 = arith.constant 1024 : i32
      %mul3A_275 = arith.muli %rem3A_219, %mul3A_274 : i32
      %add3A_276 = arith.constant 128 : i32
      %add3A_277 = arith.addi %mul3A_275, %add3A_276 : i32
      %mul3A_278 = arith.constant 8 : i32
      %mul3A_279 = arith.muli %rem3A_219, %mul3A_278 : i32
      %add3A_280 = arith.constant 1 : i32
      %add3A_281 = arith.addi %mul3A_279, %add3A_280 : i32
      %dma_start3A_282 = arith.constant 0 : i32
      %dma_start3A_283 = tpu.memref_slice %arg6[%add3A_277, %dma_start3A_282] : memref<2048x32xf32, #tpu.memory_space<vmem>> -> memref<128x32xf32, #tpu.memory_space<vmem>>
      %dma_start3A_284 = arith.constant 0 : i32
      %dma_start3A_285 = tpu.memref_slice %arg7[%add3A_281, %dma_start3A_284] : memref<16x128xi32, #tpu.memory_space<vmem>> -> memref<1x128xi32, #tpu.memory_space<vmem>>
      %dma_start3A_286 = tpu.memref_squeeze %dma_start3A_285 : memref<1x128xi32, #tpu.memory_space<vmem>> -> memref<128xi32, #tpu.memory_space<vmem>>
      %dma_start3A_287 = arith.constant 0 : i32
      %dma_start3A_288 = arith.constant 0 : i32
      %dma_start3A_289 = tpu.memref_slice %arg4[%dma_start3A_287, %dma_start3A_288] : memref<425984x32xf32, #tpu.memory_space<hbm>> -> memref<425984x32xf32, #tpu.memory_space<hbm>>
      tpu.enqueue_indirect_dma source(%dma_start3A_283 : memref<128x32xf32, #tpu.memory_space<vmem>>) target(%dma_start3A_289 : memref<425984x32xf32, #tpu.memory_space<hbm>>) offsets(%dma_start3A_286 : memref<128xi32, #tpu.memory_space<vmem>>) semaphore(%arg9 : memref<!tpu.dma_semaphore, #tpu.memory_space<semaphore_mem>>)
      %mul3A_290 = arith.constant 1024 : i32
      %mul3A_291 = arith.muli %rem3A_219, %mul3A_290 : i32
      %add3A_292 = arith.constant 256 : i32
      %add3A_293 = arith.addi %mul3A_291, %add3A_292 : i32
      %mul3A_294 = arith.constant 8 : i32
      %mul3A_295 = arith.muli %rem3A_219, %mul3A_294 : i32
      %add3A_296 = arith.constant 2 : i32
      %add3A_297 = arith.addi %mul3A_295, %add3A_296 : i32
      %dma_start3A_298 = arith.constant 0 : i32
      %dma_start3A_299 = tpu.memref_slice %arg6[%add3A_293, %dma_start3A_298] : memref<2048x32xf32, #tpu.memory_space<vmem>> -> memref<128x32xf32, #tpu.memory_space<vmem>>
      %dma_start3A_300 = arith.constant 0 : i32
      %dma_start3A_301 = tpu.memref_slice %arg7[%add3A_297, %dma_start3A_300] : memref<16x128xi32, #tpu.memory_space<vmem>> -> memref<1x128xi32, #tpu.memory_space<vmem>>
      %dma_start3A_302 = tpu.memref_squeeze %dma_start3A_301 : memref<1x128xi32, #tpu.memory_space<vmem>> -> memref<128xi32, #tpu.memory_space<vmem>>
      %dma_start3A_303 = arith.constant 0 : i32
      %dma_start3A_304 = arith.constant 0 : i32
      %dma_start3A_305 = tpu.memref_slice %arg4[%dma_start3A_303, %dma_start3A_304] : memref<425984x32xf32, #tpu.memory_space<hbm>> -> memref<425984x32xf32, #tpu.memory_space<hbm>>
      tpu.enqueue_indirect_dma source(%dma_start3A_299 : memref<128x32xf32, #tpu.memory_space<vmem>>) target(%dma_start3A_305 : memref<425984x32xf32, #tpu.memory_space<hbm>>) offsets(%dma_start3A_302 : memref<128xi32, #tpu.memory_space<vmem>>) semaphore(%arg9 : memref<!tpu.dma_semaphore, #tpu.memory_space<semaphore_mem>>)
      %mul3A_306 = arith.constant 1024 : i32
      %mul3A_307 = arith.muli %rem3A_219, %mul3A_306 : i32
      %add3A_308 = arith.constant 384 : i32
      %add3A_309 = arith.addi %mul3A_307, %add3A_308 : i32
      %mul3A_310 = arith.constant 8 : i32
      %mul3A_311 = arith.muli %rem3A_219, %mul3A_310 : i32
      %add3A_312 = arith.constant 3 : i32
      %add3A_313 = arith.addi %mul3A_311, %add3A_312 : i32
      %dma_start3A_314 = arith.constant 0 : i32
      %dma_start3A_315 = tpu.memref_slice %arg6[%add3A_309, %dma_start3A_314] : memref<2048x32xf32, #tpu.memory_space<vmem>> -> memref<128x32xf32, #tpu.memory_space<vmem>>
      %dma_start3A_316 = arith.constant 0 : i32
      %dma_start3A_317 = tpu.memref_slice %arg7[%add3A_313, %dma_start3A_316] : memref<16x128xi32, #tpu.memory_space<vmem>> -> memref<1x128xi32, #tpu.memory_space<vmem>>
      %dma_start3A_318 = tpu.memref_squeeze %dma_start3A_317 : memref<1x128xi32, #tpu.memory_space<vmem>> -> memref<128xi32, #tpu.memory_space<vmem>>
      %dma_start3A_319 = arith.constant 0 : i32
      %dma_start3A_320 = arith.constant 0 : i32
      %dma_start3A_321 = tpu.memref_slice %arg4[%dma_start3A_319, %dma_start3A_320] : memref<425984x32xf32, #tpu.memory_space<hbm>> -> memref<425984x32xf32, #tpu.memory_space<hbm>>
      tpu.enqueue_indirect_dma source(%dma_start3A_315 : memref<128x32xf32, #tpu.memory_space<vmem>>) target(%dma_start3A_321 : memref<425984x32xf32, #tpu.memory_space<hbm>>) offsets(%dma_start3A_318 : memref<128xi32, #tpu.memory_space<vmem>>) semaphore(%arg9 : memref<!tpu.dma_semaphore, #tpu.memory_space<semaphore_mem>>)
      %mul3A_322 = arith.constant 1024 : i32
      %mul3A_323 = arith.muli %rem3A_219, %mul3A_322 : i32
      %add3A_324 = arith.constant 512 : i32
      %add3A_325 = arith.addi %mul3A_323, %add3A_324 : i32
      %mul3A_326 = arith.constant 8 : i32
      %mul3A_327 = arith.muli %rem3A_219, %mul3A_326 : i32
      %add3A_328 = arith.constant 4 : i32
      %add3A_329 = arith.addi %mul3A_327, %add3A_328 : i32
      %dma_start3A_330 = arith.constant 0 : i32
      %dma_start3A_331 = tpu.memref_slice %arg6[%add3A_325, %dma_start3A_330] : memref<2048x32xf32, #tpu.memory_space<vmem>> -> memref<128x32xf32, #tpu.memory_space<vmem>>
      %dma_start3A_332 = arith.constant 0 : i32
      %dma_start3A_333 = tpu.memref_slice %arg7[%add3A_329, %dma_start3A_332] : memref<16x128xi32, #tpu.memory_space<vmem>> -> memref<1x128xi32, #tpu.memory_space<vmem>>
      %dma_start3A_334 = tpu.memref_squeeze %dma_start3A_333 : memref<1x128xi32, #tpu.memory_space<vmem>> -> memref<128xi32, #tpu.memory_space<vmem>>
      %dma_start3A_335 = arith.constant 0 : i32
      %dma_start3A_336 = arith.constant 0 : i32
      %dma_start3A_337 = tpu.memref_slice %arg4[%dma_start3A_335, %dma_start3A_336] : memref<425984x32xf32, #tpu.memory_space<hbm>> -> memref<425984x32xf32, #tpu.memory_space<hbm>>
      tpu.enqueue_indirect_dma source(%dma_start3A_331 : memref<128x32xf32, #tpu.memory_space<vmem>>) target(%dma_start3A_337 : memref<425984x32xf32, #tpu.memory_space<hbm>>) offsets(%dma_start3A_334 : memref<128xi32, #tpu.memory_space<vmem>>) semaphore(%arg9 : memref<!tpu.dma_semaphore, #tpu.memory_space<semaphore_mem>>)
      %mul3A_338 = arith.constant 1024 : i32
      %mul3A_339 = arith.muli %rem3A_219, %mul3A_338 : i32
      %add3A_340 = arith.constant 640 : i32
      %add3A_341 = arith.addi %mul3A_339, %add3A_340 : i32
      %mul3A_342 = arith.constant 8 : i32
      %mul3A_343 = arith.muli %rem3A_219, %mul3A_342 : i32
      %add3A_344 = arith.constant 5 : i32
      %add3A_345 = arith.addi %mul3A_343, %add3A_344 : i32
      %dma_start3A_346 = arith.constant 0 : i32
      %dma_start3A_347 = tpu.memref_slice %arg6[%add3A_341, %dma_start3A_346] : memref<2048x32xf32, #tpu.memory_space<vmem>> -> memref<128x32xf32, #tpu.memory_space<vmem>>
      %dma_start3A_348 = arith.constant 0 : i32
      %dma_start3A_349 = tpu.memref_slice %arg7[%add3A_345, %dma_start3A_348] : memref<16x128xi32, #tpu.memory_space<vmem>> -> memref<1x128xi32, #tpu.memory_space<vmem>>
      %dma_start3A_350 = tpu.memref_squeeze %dma_start3A_349 : memref<1x128xi32, #tpu.memory_space<vmem>> -> memref<128xi32, #tpu.memory_space<vmem>>
      %dma_start3A_351 = arith.constant 0 : i32
      %dma_start3A_352 = arith.constant 0 : i32
      %dma_start3A_353 = tpu.memref_slice %arg4[%dma_start3A_351, %dma_start3A_352] : memref<425984x32xf32, #tpu.memory_space<hbm>> -> memref<425984x32xf32, #tpu.memory_space<hbm>>
      tpu.enqueue_indirect_dma source(%dma_start3A_347 : memref<128x32xf32, #tpu.memory_space<vmem>>) target(%dma_start3A_353 : memref<425984x32xf32, #tpu.memory_space<hbm>>) offsets(%dma_start3A_350 : memref<128xi32, #tpu.memory_space<vmem>>) semaphore(%arg9 : memref<!tpu.dma_semaphore, #tpu.memory_space<semaphore_mem>>)
      %mul3A_354 = arith.constant 1024 : i32
      %mul3A_355 = arith.muli %rem3A_219, %mul3A_354 : i32
      %add3A_356 = arith.constant 768 : i32
      %add3A_357 = arith.addi %mul3A_355, %add3A_356 : i32
      %mul3A_358 = arith.constant 8 : i32
      %mul3A_359 = arith.muli %rem3A_219, %mul3A_358 : i32
      %add3A_360 = arith.constant 6 : i32
      %add3A_361 = arith.addi %mul3A_359, %add3A_360 : i32
      %dma_start3A_362 = arith.constant 0 : i32
      %dma_start3A_363 = tpu.memref_slice %arg6[%add3A_357, %dma_start3A_362] : memref<2048x32xf32, #tpu.memory_space<vmem>> -> memref<128x32xf32, #tpu.memory_space<vmem>>
      %dma_start3A_364 = arith.constant 0 : i32
      %dma_start3A_365 = tpu.memref_slice %arg7[%add3A_361, %dma_start3A_364] : memref<16x128xi32, #tpu.memory_space<vmem>> -> memref<1x128xi32, #tpu.memory_space<vmem>>
      %dma_start3A_366 = tpu.memref_squeeze %dma_start3A_365 : memref<1x128xi32, #tpu.memory_space<vmem>> -> memref<128xi32, #tpu.memory_space<vmem>>
      %dma_start3A_367 = arith.constant 0 : i32
      %dma_start3A_368 = arith.constant 0 : i32
      %dma_start3A_369 = tpu.memref_slice %arg4[%dma_start3A_367, %dma_start3A_368] : memref<425984x32xf32, #tpu.memory_space<hbm>> -> memref<425984x32xf32, #tpu.memory_space<hbm>>
      tpu.enqueue_indirect_dma source(%dma_start3A_363 : memref<128x32xf32, #tpu.memory_space<vmem>>) target(%dma_start3A_369 : memref<425984x32xf32, #tpu.memory_space<hbm>>) offsets(%dma_start3A_366 : memref<128xi32, #tpu.memory_space<vmem>>) semaphore(%arg9 : memref<!tpu.dma_semaphore, #tpu.memory_space<semaphore_mem>>)
      %mul3A_370 = arith.constant 1024 : i32
      %mul3A_371 = arith.muli %rem3A_219, %mul3A_370 : i32
      %add3A_372 = arith.constant 896 : i32
      %add3A_373 = arith.addi %mul3A_371, %add3A_372 : i32
      %mul3A_374 = arith.constant 8 : i32
      %mul3A_375 = arith.muli %rem3A_219, %mul3A_374 : i32
      %add3A_376 = arith.constant 7 : i32
      %add3A_377 = arith.addi %mul3A_375, %add3A_376 : i32
      %dma_start3A_378 = arith.constant 0 : i32
      %dma_start3A_379 = tpu.memref_slice %arg6[%add3A_373, %dma_start3A_378] : memref<2048x32xf32, #tpu.memory_space<vmem>> -> memref<128x32xf32, #tpu.memory_space<vmem>>
      %dma_start3A_380 = arith.constant 0 : i32
      %dma_start3A_381 = tpu.memref_slice %arg7[%add3A_377, %dma_start3A_380] : memref<16x128xi32, #tpu.memory_space<vmem>> -> memref<1x128xi32, #tpu.memory_space<vmem>>
      %dma_start3A_382 = tpu.memref_squeeze %dma_start3A_381 : memref<1x128xi32, #tpu.memory_space<vmem>> -> memref<128xi32, #tpu.memory_space<vmem>>
      %dma_start3A_383 = arith.constant 0 : i32
      %dma_start3A_384 = arith.constant 0 : i32
      %dma_start3A_385 = tpu.memref_slice %arg4[%dma_start3A_383, %dma_start3A_384] : memref<425984x32xf32, #tpu.memory_space<hbm>> -> memref<425984x32xf32, #tpu.memory_space<hbm>>
      tpu.enqueue_indirect_dma source(%dma_start3A_379 : memref<128x32xf32, #tpu.memory_space<vmem>>) target(%dma_start3A_385 : memref<425984x32xf32, #tpu.memory_space<hbm>>) offsets(%dma_start3A_382 : memref<128xi32, #tpu.memory_space<vmem>>) semaphore(%arg9 : memref<!tpu.dma_semaphore, #tpu.memory_space<semaphore_mem>>)
    }
    %scan3A_26 = arith.constant 13 : i32
    %dma_wait3A = arith.constant 0 : i32
    %dma_wait3A_27 = arith.constant 0 : i32
    %dma_wait3A_28 = tpu.memref_slice %arg6[%dma_wait3A, %dma_wait3A_27] : memref<2048x32xf32, #tpu.memory_space<vmem>> -> memref<128x32xf32, #tpu.memory_space<vmem>>
    %dma_wait3A_29 = arith.constant 0 : i32
    %dma_wait3A_30 = arith.constant 0 : i32
    %dma_wait3A_31 = tpu.memref_slice %arg2[%dma_wait3A_29, %dma_wait3A_30] : memref<425984x32xf32, #tpu.memory_space<hbm>> -> memref<128x32xf32, #tpu.memory_space<hbm>>
    %dma_wait3A_32 = arith.constant 0 : i32
    %dma_wait3A_33 = arith.constant 0 : i32
    %dma_wait3A_34 = tpu.memref_slice %arg6[%dma_wait3A_32, %dma_wait3A_33] : memref<2048x32xf32, #tpu.memory_space<vmem>> -> memref<128x32xf32, #tpu.memory_space<vmem>>
    %dma_wait3A_35 = arith.constant 0 : i32
    %dma_wait3A_36 = arith.constant 0 : i32
    %dma_wait3A_37 = tpu.memref_slice %arg2[%dma_wait3A_35, %dma_wait3A_36] : memref<425984x32xf32, #tpu.memory_space<hbm>> -> memref<128x32xf32, #tpu.memory_space<hbm>>
    tpu.wait_dma2 semaphore(%arg9 : memref<!tpu.dma_semaphore, #tpu.memory_space<semaphore_mem>>) src(%dma_wait3A_37 : memref<128x32xf32, #tpu.memory_space<hbm>>) dst(%dma_wait3A_34 : memref<128x32xf32, #tpu.memory_space<vmem>>)
    %dma_wait3A_38 = arith.constant 0 : i32
    %dma_wait3A_39 = arith.constant 0 : i32
    %dma_wait3A_40 = tpu.memref_slice %arg6[%dma_wait3A_38, %dma_wait3A_39] : memref<2048x32xf32, #tpu.memory_space<vmem>> -> memref<128x32xf32, #tpu.memory_space<vmem>>
    %dma_wait3A_41 = arith.constant 0 : i32
    %dma_wait3A_42 = arith.constant 0 : i32
    %dma_wait3A_43 = tpu.memref_slice %arg2[%dma_wait3A_41, %dma_wait3A_42] : memref<425984x32xf32, #tpu.memory_space<hbm>> -> memref<128x32xf32, #tpu.memory_space<hbm>>
    %dma_wait3A_44 = arith.constant 0 : i32
    %dma_wait3A_45 = arith.constant 0 : i32
    %dma_wait3A_46 = tpu.memref_slice %arg6[%dma_wait3A_44, %dma_wait3A_45] : memref<2048x32xf32, #tpu.memory_space<vmem>> -> memref<128x32xf32, #tpu.memory_space<vmem>>
    %dma_wait3A_47 = arith.constant 0 : i32
    %dma_wait3A_48 = arith.constant 0 : i32
    %dma_wait3A_49 = tpu.memref_slice %arg2[%dma_wait3A_47, %dma_wait3A_48] : memref<425984x32xf32, #tpu.memory_space<hbm>> -> memref<128x32xf32, #tpu.memory_space<hbm>>
    tpu.wait_dma2 semaphore(%arg9 : memref<!tpu.dma_semaphore, #tpu.memory_space<semaphore_mem>>) src(%dma_wait3A_49 : memref<128x32xf32, #tpu.memory_space<hbm>>) dst(%dma_wait3A_46 : memref<128x32xf32, #tpu.memory_space<vmem>>)
    %dma_wait3A_50 = arith.constant 0 : i32
    %dma_wait3A_51 = arith.constant 0 : i32
    %dma_wait3A_52 = tpu.memref_slice %arg6[%dma_wait3A_50, %dma_wait3A_51] : memref<2048x32xf32, #tpu.memory_space<vmem>> -> memref<128x32xf32, #tpu.memory_space<vmem>>
    %dma_wait3A_53 = arith.constant 0 : i32
    %dma_wait3A_54 = arith.constant 0 : i32
    %dma_wait3A_55 = tpu.memref_slice %arg2[%dma_wait3A_53, %dma_wait3A_54] : memref<425984x32xf32, #tpu.memory_space<hbm>> -> memref<128x32xf32, #tpu.memory_space<hbm>>
    %dma_wait3A_56 = arith.constant 0 : i32
    %dma_wait3A_57 = arith.constant 0 : i32
    %dma_wait3A_58 = tpu.memref_slice %arg6[%dma_wait3A_56, %dma_wait3A_57] : memref<2048x32xf32, #tpu.memory_space<vmem>> -> memref<128x32xf32, #tpu.memory_space<vmem>>
    %dma_wait3A_59 = arith.constant 0 : i32
    %dma_wait3A_60 = arith.constant 0 : i32
    %dma_wait3A_61 = tpu.memref_slice %arg2[%dma_wait3A_59, %dma_wait3A_60] : memref<425984x32xf32, #tpu.memory_space<hbm>> -> memref<128x32xf32, #tpu.memory_space<hbm>>
    tpu.wait_dma2 semaphore(%arg9 : memref<!tpu.dma_semaphore, #tpu.memory_space<semaphore_mem>>) src(%dma_wait3A_61 : memref<128x32xf32, #tpu.memory_space<hbm>>) dst(%dma_wait3A_58 : memref<128x32xf32, #tpu.memory_space<vmem>>)
    %dma_wait3A_62 = arith.constant 0 : i32
    %dma_wait3A_63 = arith.constant 0 : i32
    %dma_wait3A_64 = tpu.memref_slice %arg6[%dma_wait3A_62, %dma_wait3A_63] : memref<2048x32xf32, #tpu.memory_space<vmem>> -> memref<128x32xf32, #tpu.memory_space<vmem>>
    %dma_wait3A_65 = arith.constant 0 : i32
    %dma_wait3A_66 = arith.constant 0 : i32
    %dma_wait3A_67 = tpu.memref_slice %arg2[%dma_wait3A_65, %dma_wait3A_66] : memref<425984x32xf32, #tpu.memory_space<hbm>> -> memref<128x32xf32, #tpu.memory_space<hbm>>
    %dma_wait3A_68 = arith.constant 0 : i32
    %dma_wait3A_69 = arith.constant 0 : i32
    %dma_wait3A_70 = tpu.memref_slice %arg6[%dma_wait3A_68, %dma_wait3A_69] : memref<2048x32xf32, #tpu.memory_space<vmem>> -> memref<128x32xf32, #tpu.memory_space<vmem>>
    %dma_wait3A_71 = arith.constant 0 : i32
    %dma_wait3A_72 = arith.constant 0 : i32
    %dma_wait3A_73 = tpu.memref_slice %arg2[%dma_wait3A_71, %dma_wait3A_72] : memref<425984x32xf32, #tpu.memory_space<hbm>> -> memref<128x32xf32, #tpu.memory_space<hbm>>
    tpu.wait_dma2 semaphore(%arg9 : memref<!tpu.dma_semaphore, #tpu.memory_space<semaphore_mem>>) src(%dma_wait3A_73 : memref<128x32xf32, #tpu.memory_space<hbm>>) dst(%dma_wait3A_70 : memref<128x32xf32, #tpu.memory_space<vmem>>)
    %dma_wait3A_74 = arith.constant 0 : i32
    %dma_wait3A_75 = arith.constant 0 : i32
    %dma_wait3A_76 = tpu.memref_slice %arg6[%dma_wait3A_74, %dma_wait3A_75] : memref<2048x32xf32, #tpu.memory_space<vmem>> -> memref<128x32xf32, #tpu.memory_space<vmem>>
    %dma_wait3A_77 = arith.constant 0 : i32
    %dma_wait3A_78 = arith.constant 0 : i32
    %dma_wait3A_79 = tpu.memref_slice %arg2[%dma_wait3A_77, %dma_wait3A_78] : memref<425984x32xf32, #tpu.memory_space<hbm>> -> memref<128x32xf32, #tpu.memory_space<hbm>>
    %dma_wait3A_80 = arith.constant 0 : i32
    %dma_wait3A_81 = arith.constant 0 : i32
    %dma_wait3A_82 = tpu.memref_slice %arg6[%dma_wait3A_80, %dma_wait3A_81] : memref<2048x32xf32, #tpu.memory_space<vmem>> -> memref<128x32xf32, #tpu.memory_space<vmem>>
    %dma_wait3A_83 = arith.constant 0 : i32
    %dma_wait3A_84 = arith.constant 0 : i32
    %dma_wait3A_85 = tpu.memref_slice %arg2[%dma_wait3A_83, %dma_wait3A_84] : memref<425984x32xf32, #tpu.memory_space<hbm>> -> memref<128x32xf32, #tpu.memory_space<hbm>>
    tpu.wait_dma2 semaphore(%arg9 : memref<!tpu.dma_semaphore, #tpu.memory_space<semaphore_mem>>) src(%dma_wait3A_85 : memref<128x32xf32, #tpu.memory_space<hbm>>) dst(%dma_wait3A_82 : memref<128x32xf32, #tpu.memory_space<vmem>>)
    %dma_wait3A_86 = arith.constant 0 : i32
    %dma_wait3A_87 = arith.constant 0 : i32
    %dma_wait3A_88 = tpu.memref_slice %arg6[%dma_wait3A_86, %dma_wait3A_87] : memref<2048x32xf32, #tpu.memory_space<vmem>> -> memref<128x32xf32, #tpu.memory_space<vmem>>
    %dma_wait3A_89 = arith.constant 0 : i32
    %dma_wait3A_90 = arith.constant 0 : i32
    %dma_wait3A_91 = tpu.memref_slice %arg2[%dma_wait3A_89, %dma_wait3A_90] : memref<425984x32xf32, #tpu.memory_space<hbm>> -> memref<128x32xf32, #tpu.memory_space<hbm>>
    %dma_wait3A_92 = arith.constant 0 : i32
    %dma_wait3A_93 = arith.constant 0 : i32
    %dma_wait3A_94 = tpu.memref_slice %arg6[%dma_wait3A_92, %dma_wait3A_93] : memref<2048x32xf32, #tpu.memory_space<vmem>> -> memref<128x32xf32, #tpu.memory_space<vmem>>
    %dma_wait3A_95 = arith.constant 0 : i32
    %dma_wait3A_96 = arith.constant 0 : i32
    %dma_wait3A_97 = tpu.memref_slice %arg2[%dma_wait3A_95, %dma_wait3A_96] : memref<425984x32xf32, #tpu.memory_space<hbm>> -> memref<128x32xf32, #tpu.memory_space<hbm>>
    tpu.wait_dma2 semaphore(%arg9 : memref<!tpu.dma_semaphore, #tpu.memory_space<semaphore_mem>>) src(%dma_wait3A_97 : memref<128x32xf32, #tpu.memory_space<hbm>>) dst(%dma_wait3A_94 : memref<128x32xf32, #tpu.memory_space<vmem>>)
    %dma_wait3A_98 = arith.constant 0 : i32
    %dma_wait3A_99 = arith.constant 0 : i32
    %dma_wait3A_100 = tpu.memref_slice %arg6[%dma_wait3A_98, %dma_wait3A_99] : memref<2048x32xf32, #tpu.memory_space<vmem>> -> memref<128x32xf32, #tpu.memory_space<vmem>>
    %dma_wait3A_101 = arith.constant 0 : i32
    %dma_wait3A_102 = arith.constant 0 : i32
    %dma_wait3A_103 = tpu.memref_slice %arg2[%dma_wait3A_101, %dma_wait3A_102] : memref<425984x32xf32, #tpu.memory_space<hbm>> -> memref<128x32xf32, #tpu.memory_space<hbm>>
    %dma_wait3A_104 = arith.constant 0 : i32
    %dma_wait3A_105 = arith.constant 0 : i32
    %dma_wait3A_106 = tpu.memref_slice %arg6[%dma_wait3A_104, %dma_wait3A_105] : memref<2048x32xf32, #tpu.memory_space<vmem>> -> memref<128x32xf32, #tpu.memory_space<vmem>>
    %dma_wait3A_107 = arith.constant 0 : i32
    %dma_wait3A_108 = arith.constant 0 : i32
    %dma_wait3A_109 = tpu.memref_slice %arg2[%dma_wait3A_107, %dma_wait3A_108] : memref<425984x32xf32, #tpu.memory_space<hbm>> -> memref<128x32xf32, #tpu.memory_space<hbm>>
    tpu.wait_dma2 semaphore(%arg9 : memref<!tpu.dma_semaphore, #tpu.memory_space<semaphore_mem>>) src(%dma_wait3A_109 : memref<128x32xf32, #tpu.memory_space<hbm>>) dst(%dma_wait3A_106 : memref<128x32xf32, #tpu.memory_space<vmem>>)
    %dma_wait3A_110 = arith.constant 0 : i32
    %dma_wait3A_111 = arith.constant 0 : i32
    %dma_wait3A_112 = tpu.memref_slice %arg6[%dma_wait3A_110, %dma_wait3A_111] : memref<2048x32xf32, #tpu.memory_space<vmem>> -> memref<128x32xf32, #tpu.memory_space<vmem>>
    %dma_wait3A_113 = arith.constant 0 : i32
    %dma_wait3A_114 = arith.constant 0 : i32
    %dma_wait3A_115 = tpu.memref_slice %arg2[%dma_wait3A_113, %dma_wait3A_114] : memref<425984x32xf32, #tpu.memory_space<hbm>> -> memref<128x32xf32, #tpu.memory_space<hbm>>
    %dma_wait3A_116 = arith.constant 0 : i32
    %dma_wait3A_117 = arith.constant 0 : i32
    %dma_wait3A_118 = tpu.memref_slice %arg6[%dma_wait3A_116, %dma_wait3A_117] : memref<2048x32xf32, #tpu.memory_space<vmem>> -> memref<128x32xf32, #tpu.memory_space<vmem>>
    %dma_wait3A_119 = arith.constant 0 : i32
    %dma_wait3A_120 = arith.constant 0 : i32
    %dma_wait3A_121 = tpu.memref_slice %arg2[%dma_wait3A_119, %dma_wait3A_120] : memref<425984x32xf32, #tpu.memory_space<hbm>> -> memref<128x32xf32, #tpu.memory_space<hbm>>
    tpu.wait_dma2 semaphore(%arg9 : memref<!tpu.dma_semaphore, #tpu.memory_space<semaphore_mem>>) src(%dma_wait3A_121 : memref<128x32xf32, #tpu.memory_space<hbm>>) dst(%dma_wait3A_118 : memref<128x32xf32, #tpu.memory_space<vmem>>)
    %dma_wait3A_122 = arith.constant 0 : i32
    %dma_wait3A_123 = arith.constant 0 : i32
    %dma_wait3A_124 = tpu.memref_slice %arg6[%dma_wait3A_122, %dma_wait3A_123] : memref<2048x32xf32, #tpu.memory_space<vmem>> -> memref<128x32xf32, #tpu.memory_space<vmem>>
    %dma_wait3A_125 = arith.constant 0 : i32
    %dma_wait3A_126 = arith.constant 0 : i32
    %dma_wait3A_127 = tpu.memref_slice %arg2[%dma_wait3A_125, %dma_wait3A_126] : memref<425984x32xf32, #tpu.memory_space<hbm>> -> memref<128x32xf32, #tpu.memory_space<hbm>>
    %dma_wait3A_128 = arith.constant 0 : i32
    %dma_wait3A_129 = arith.constant 0 : i32
    %dma_wait3A_130 = tpu.memref_slice %arg6[%dma_wait3A_128, %dma_wait3A_129] : memref<2048x32xf32, #tpu.memory_space<vmem>> -> memref<128x32xf32, #tpu.memory_space<vmem>>
    %dma_wait3A_131 = arith.constant 0 : i32
    %dma_wait3A_132 = arith.constant 0 : i32
    %dma_wait3A_133 = tpu.memref_slice %arg2[%dma_wait3A_131, %dma_wait3A_132] : memref<425984x32xf32, #tpu.memory_space<hbm>> -> memref<128x32xf32, #tpu.memory_space<hbm>>
    tpu.wait_dma2 semaphore(%arg9 : memref<!tpu.dma_semaphore, #tpu.memory_space<semaphore_mem>>) src(%dma_wait3A_133 : memref<128x32xf32, #tpu.memory_space<hbm>>) dst(%dma_wait3A_130 : memref<128x32xf32, #tpu.memory_space<vmem>>)
    %dma_wait3A_134 = arith.constant 0 : i32
    %dma_wait3A_135 = arith.constant 0 : i32
    %dma_wait3A_136 = tpu.memref_slice %arg6[%dma_wait3A_134, %dma_wait3A_135] : memref<2048x32xf32, #tpu.memory_space<vmem>> -> memref<128x32xf32, #tpu.memory_space<vmem>>
    %dma_wait3A_137 = arith.constant 0 : i32
    %dma_wait3A_138 = arith.constant 0 : i32
    %dma_wait3A_139 = tpu.memref_slice %arg2[%dma_wait3A_137, %dma_wait3A_138] : memref<425984x32xf32, #tpu.memory_space<hbm>> -> memref<128x32xf32, #tpu.memory_space<hbm>>
    %dma_wait3A_140 = arith.constant 0 : i32
    %dma_wait3A_141 = arith.constant 0 : i32
    %dma_wait3A_142 = tpu.memref_slice %arg6[%dma_wait3A_140, %dma_wait3A_141] : memref<2048x32xf32, #tpu.memory_space<vmem>> -> memref<128x32xf32, #tpu.memory_space<vmem>>
    %dma_wait3A_143 = arith.constant 0 : i32
    %dma_wait3A_144 = arith.constant 0 : i32
    %dma_wait3A_145 = tpu.memref_slice %arg2[%dma_wait3A_143, %dma_wait3A_144] : memref<425984x32xf32, #tpu.memory_space<hbm>> -> memref<128x32xf32, #tpu.memory_space<hbm>>
    tpu.wait_dma2 semaphore(%arg9 : memref<!tpu.dma_semaphore, #tpu.memory_space<semaphore_mem>>) src(%dma_wait3A_145 : memref<128x32xf32, #tpu.memory_space<hbm>>) dst(%dma_wait3A_142 : memref<128x32xf32, #tpu.memory_space<vmem>>)
    %dma_wait3A_146 = arith.constant 0 : i32
    %dma_wait3A_147 = arith.constant 0 : i32
    %dma_wait3A_148 = tpu.memref_slice %arg6[%dma_wait3A_146, %dma_wait3A_147] : memref<2048x32xf32, #tpu.memory_space<vmem>> -> memref<128x32xf32, #tpu.memory_space<vmem>>
    %dma_wait3A_149 = arith.constant 0 : i32
    %dma_wait3A_150 = arith.constant 0 : i32
    %dma_wait3A_151 = tpu.memref_slice %arg2[%dma_wait3A_149, %dma_wait3A_150] : memref<425984x32xf32, #tpu.memory_space<hbm>> -> memref<128x32xf32, #tpu.memory_space<hbm>>
    %dma_wait3A_152 = arith.constant 0 : i32
    %dma_wait3A_153 = arith.constant 0 : i32
    %dma_wait3A_154 = tpu.memref_slice %arg6[%dma_wait3A_152, %dma_wait3A_153] : memref<2048x32xf32, #tpu.memory_space<vmem>> -> memref<128x32xf32, #tpu.memory_space<vmem>>
    %dma_wait3A_155 = arith.constant 0 : i32
    %dma_wait3A_156 = arith.constant 0 : i32
    %dma_wait3A_157 = tpu.memref_slice %arg2[%dma_wait3A_155, %dma_wait3A_156] : memref<425984x32xf32, #tpu.memory_space<hbm>> -> memref<128x32xf32, #tpu.memory_space<hbm>>
    tpu.wait_dma2 semaphore(%arg9 : memref<!tpu.dma_semaphore, #tpu.memory_space<semaphore_mem>>) src(%dma_wait3A_157 : memref<128x32xf32, #tpu.memory_space<hbm>>) dst(%dma_wait3A_154 : memref<128x32xf32, #tpu.memory_space<vmem>>)
    %dma_wait3A_158 = arith.constant 0 : i32
    %dma_wait3A_159 = arith.constant 0 : i32
    %dma_wait3A_160 = tpu.memref_slice %arg6[%dma_wait3A_158, %dma_wait3A_159] : memref<2048x32xf32, #tpu.memory_space<vmem>> -> memref<128x32xf32, #tpu.memory_space<vmem>>
    %dma_wait3A_161 = arith.constant 0 : i32
    %dma_wait3A_162 = arith.constant 0 : i32
    %dma_wait3A_163 = tpu.memref_slice %arg2[%dma_wait3A_161, %dma_wait3A_162] : memref<425984x32xf32, #tpu.memory_space<hbm>> -> memref<128x32xf32, #tpu.memory_space<hbm>>
    %dma_wait3A_164 = arith.constant 0 : i32
    %dma_wait3A_165 = arith.constant 0 : i32
    %dma_wait3A_166 = tpu.memref_slice %arg6[%dma_wait3A_164, %dma_wait3A_165] : memref<2048x32xf32, #tpu.memory_space<vmem>> -> memref<128x32xf32, #tpu.memory_space<vmem>>
    %dma_wait3A_167 = arith.constant 0 : i32
    %dma_wait3A_168 = arith.constant 0 : i32
    %dma_wait3A_169 = tpu.memref_slice %arg2[%dma_wait3A_167, %dma_wait3A_168] : memref<425984x32xf32, #tpu.memory_space<hbm>> -> memref<128x32xf32, #tpu.memory_space<hbm>>
    tpu.wait_dma2 semaphore(%arg9 : memref<!tpu.dma_semaphore, #tpu.memory_space<semaphore_mem>>) src(%dma_wait3A_169 : memref<128x32xf32, #tpu.memory_space<hbm>>) dst(%dma_wait3A_166 : memref<128x32xf32, #tpu.memory_space<vmem>>)
    %dma_wait3A_170 = arith.constant 0 : i32
    %dma_wait3A_171 = arith.constant 0 : i32
    %dma_wait3A_172 = tpu.memref_slice %arg6[%dma_wait3A_170, %dma_wait3A_171] : memref<2048x32xf32, #tpu.memory_space<vmem>> -> memref<128x32xf32, #tpu.memory_space<vmem>>
    %dma_wait3A_173 = arith.constant 0 : i32
    %dma_wait3A_174 = arith.constant 0 : i32
    %dma_wait3A_175 = tpu.memref_slice %arg2[%dma_wait3A_173, %dma_wait3A_174] : memref<425984x32xf32, #tpu.memory_space<hbm>> -> memref<128x32xf32, #tpu.memory_space<hbm>>
    %dma_wait3A_176 = arith.constant 0 : i32
    %dma_wait3A_177 = arith.constant 0 : i32
    %dma_wait3A_178 = tpu.memref_slice %arg6[%dma_wait3A_176, %dma_wait3A_177] : memref<2048x32xf32, #tpu.memory_space<vmem>> -> memref<128x32xf32, #tpu.memory_space<vmem>>
    %dma_wait3A_179 = arith.constant 0 : i32
    %dma_wait3A_180 = arith.constant 0 : i32
    %dma_wait3A_181 = tpu.memref_slice %arg2[%dma_wait3A_179, %dma_wait3A_180] : memref<425984x32xf32, #tpu.memory_space<hbm>> -> memref<128x32xf32, #tpu.memory_space<hbm>>
    tpu.wait_dma2 semaphore(%arg9 : memref<!tpu.dma_semaphore, #tpu.memory_space<semaphore_mem>>) src(%dma_wait3A_181 : memref<128x32xf32, #tpu.memory_space<hbm>>) dst(%dma_wait3A_178 : memref<128x32xf32, #tpu.memory_space<vmem>>)
    %dma_wait3A_182 = arith.constant 0 : i32
    %dma_wait3A_183 = arith.constant 0 : i32
    %dma_wait3A_184 = tpu.memref_slice %arg6[%dma_wait3A_182, %dma_wait3A_183] : memref<2048x32xf32, #tpu.memory_space<vmem>> -> memref<128x32xf32, #tpu.memory_space<vmem>>
    %dma_wait3A_185 = arith.constant 0 : i32
    %dma_wait3A_186 = arith.constant 0 : i32
    %dma_wait3A_187 = tpu.memref_slice %arg2[%dma_wait3A_185, %dma_wait3A_186] : memref<425984x32xf32, #tpu.memory_space<hbm>> -> memref<128x32xf32, #tpu.memory_space<hbm>>
    %dma_wait3A_188 = arith.constant 0 : i32
    %dma_wait3A_189 = arith.constant 0 : i32
    %dma_wait3A_190 = tpu.memref_slice %arg6[%dma_wait3A_188, %dma_wait3A_189] : memref<2048x32xf32, #tpu.memory_space<vmem>> -> memref<128x32xf32, #tpu.memory_space<vmem>>
    %dma_wait3A_191 = arith.constant 0 : i32
    %dma_wait3A_192 = arith.constant 0 : i32
    %dma_wait3A_193 = tpu.memref_slice %arg2[%dma_wait3A_191, %dma_wait3A_192] : memref<425984x32xf32, #tpu.memory_space<hbm>> -> memref<128x32xf32, #tpu.memory_space<hbm>>
    tpu.wait_dma2 semaphore(%arg9 : memref<!tpu.dma_semaphore, #tpu.memory_space<semaphore_mem>>) src(%dma_wait3A_193 : memref<128x32xf32, #tpu.memory_space<hbm>>) dst(%dma_wait3A_190 : memref<128x32xf32, #tpu.memory_space<vmem>>)
    %dma_wait3A_194 = arith.constant 0 : i32
    %dma_wait3A_195 = arith.constant 0 : i32
    %dma_wait3A_196 = tpu.memref_slice %arg6[%dma_wait3A_194, %dma_wait3A_195] : memref<2048x32xf32, #tpu.memory_space<vmem>> -> memref<128x32xf32, #tpu.memory_space<vmem>>
    %dma_wait3A_197 = arith.constant 0 : i32
    %dma_wait3A_198 = arith.constant 0 : i32
    %dma_wait3A_199 = tpu.memref_slice %arg2[%dma_wait3A_197, %dma_wait3A_198] : memref<425984x32xf32, #tpu.memory_space<hbm>> -> memref<128x32xf32, #tpu.memory_space<hbm>>
    %dma_wait3A_200 = arith.constant 0 : i32
    %dma_wait3A_201 = arith.constant 0 : i32
    %dma_wait3A_202 = tpu.memref_slice %arg6[%dma_wait3A_200, %dma_wait3A_201] : memref<2048x32xf32, #tpu.memory_space<vmem>> -> memref<128x32xf32, #tpu.memory_space<vmem>>
    %dma_wait3A_203 = arith.constant 0 : i32
    %dma_wait3A_204 = arith.constant 0 : i32
    %dma_wait3A_205 = tpu.memref_slice %arg2[%dma_wait3A_203, %dma_wait3A_204] : memref<425984x32xf32, #tpu.memory_space<hbm>> -> memref<128x32xf32, #tpu.memory_space<hbm>>
    tpu.wait_dma2 semaphore(%arg9 : memref<!tpu.dma_semaphore, #tpu.memory_space<semaphore_mem>>) src(%dma_wait3A_205 : memref<128x32xf32, #tpu.memory_space<hbm>>) dst(%dma_wait3A_202 : memref<128x32xf32, #tpu.memory_space<vmem>>)
    %dma_wait3A_206 = arith.constant 0 : i32
    %dma_wait3A_207 = arith.constant 0 : i32
    %dma_wait3A_208 = tpu.memref_slice %arg6[%dma_wait3A_206, %dma_wait3A_207] : memref<2048x32xf32, #tpu.memory_space<vmem>> -> memref<128x32xf32, #tpu.memory_space<vmem>>
    %dma_wait3A_209 = arith.constant 0 : i32
    %dma_wait3A_210 = arith.constant 0 : i32
    %dma_wait3A_211 = tpu.memref_slice %arg2[%dma_wait3A_209, %dma_wait3A_210] : memref<425984x32xf32, #tpu.memory_space<hbm>> -> memref<128x32xf32, #tpu.memory_space<hbm>>
    %dma_wait3A_212 = arith.constant 0 : i32
    %dma_wait3A_213 = arith.constant 0 : i32
    %dma_wait3A_214 = tpu.memref_slice %arg6[%dma_wait3A_212, %dma_wait3A_213] : memref<2048x32xf32, #tpu.memory_space<vmem>> -> memref<128x32xf32, #tpu.memory_space<vmem>>
    %dma_wait3A_215 = arith.constant 0 : i32
    %dma_wait3A_216 = arith.constant 0 : i32
    %dma_wait3A_217 = tpu.memref_slice %arg2[%dma_wait3A_215, %dma_wait3A_216] : memref<425984x32xf32, #tpu.memory_space<hbm>> -> memref<128x32xf32, #tpu.memory_space<hbm>>
    tpu.wait_dma2 semaphore(%arg9 : memref<!tpu.dma_semaphore, #tpu.memory_space<semaphore_mem>>) src(%dma_wait3A_217 : memref<128x32xf32, #tpu.memory_space<hbm>>) dst(%dma_wait3A_214 : memref<128x32xf32, #tpu.memory_space<vmem>>)
    return
  }
}

#map = affine_map<(d0, d1) -> (0, 0, 0)>
#map1 = affine_map<(d0, d1) -> (0)>
#map2 = affine_map<(d0, d1) -> (0, 0)>
module attributes {stable_mosaic.version = 14 : i64} {
  func.func @_extract_kernel(%arg0: i32, %arg1: i32, %arg2: memref<26x32x100000xf32, #tpu.memory_space<hbm>>, %arg3: memref<26x32x1792xf32, #tpu.memory_space<hbm>>, %arg4: memref<425984xi32, #tpu.memory_space<hbm>>, %arg5: memref<106496x128xf32, #tpu.memory_space<hbm>>, %arg6: memref<13312xi32, #tpu.memory_space<vmem>>, %arg7: memref<32x2048xf32, #tpu.memory_space<vmem>>, %arg8: memref<256x128xf32, #tpu.memory_space<vmem>>, %arg9: memref<!tpu.dma_semaphore, #tpu.memory_space<semaphore_mem>>) attributes {dimension_semantics = [#tpu.dimension_semantics<core_parallel>, #tpu.dimension_semantics<subcore_parallel>], iteration_bounds = array<i64: 2, 16>, scalar_prefetch = 0 : i64, scratch_operands = 4 : i64, tpu.core_type = #tpu.core_type<sc_vector_subcore>, window_params = [{transform_indices = #map}, {transform_indices = #map}, {transform_indices = #map1}, {transform_indices = #map2}]} {
    %mul3A = arith.constant 2 : i32
    %mul3A_0 = arith.muli %arg1, %mul3A : i32
    %add3A = arith.addi %mul3A_0, %arg0 : i32
    %mul3A_1 = arith.constant 13312 : i32
    %mul3A_2 = arith.muli %add3A, %mul3A_1 : i32
    "tpu.region"() ({
      %run_scoped3A = tpu.sem_alloc : memref<!tpu.dma_semaphore, #tpu.memory_space<semaphore_mem>>
      %dma_start3A = tpu.memref_slice %arg4[%mul3A_2] : memref<425984xi32, #tpu.memory_space<hbm>> -> memref<13312xi32, #tpu.memory_space<hbm>>
      %dma_start3A_34 = tpu.memref_slice %arg4[%mul3A_2] : memref<425984xi32, #tpu.memory_space<hbm>> -> memref<13312xi32, #tpu.memory_space<hbm>>
      tpu.enqueue_dma source(%dma_start3A_34 : memref<13312xi32, #tpu.memory_space<hbm>>) target(%arg6 : memref<13312xi32, #tpu.memory_space<vmem>>) target_semaphore(%run_scoped3A : memref<!tpu.dma_semaphore, #tpu.memory_space<semaphore_mem>>)
      %dma_wait3A_35 = tpu.memref_slice %arg4[%mul3A_2] : memref<425984xi32, #tpu.memory_space<hbm>> -> memref<13312xi32, #tpu.memory_space<hbm>>
      %dma_wait3A_36 = tpu.memref_slice %arg4[%mul3A_2] : memref<425984xi32, #tpu.memory_space<hbm>> -> memref<13312xi32, #tpu.memory_space<hbm>>
      tpu.wait_dma2 semaphore(%run_scoped3A : memref<!tpu.dma_semaphore, #tpu.memory_space<semaphore_mem>>) src(%dma_wait3A_36 : memref<13312xi32, #tpu.memory_space<hbm>>) dst(%arg6 : memref<13312xi32, #tpu.memory_space<vmem>>)
      tpu.yield
    }) : () -> ()
    %iota3A = tpu.iota {dimensions = array<i32: 0>} : vector<16xi32>
    %broadcast_in_dim3A = arith.constant 0 : i32
    %broadcast_in_dim3A_3 = vector.broadcast %broadcast_in_dim3A : i32 to vector<16xi32>
    %scan3A = arith.constant 0 : i32
    %scan3A_4 = arith.constant -1 : i32
    %scan3A_5 = arith.constant 0 : i32
    %scan3A_6 = arith.constant 26 : i32
    %scan3A_7 = arith.addi %scan3A_5, %scan3A_6 : i32
    %scan3A_8 = arith.constant 1 : i32
    %scan3A_9:2 = scf.for %scan3A_34 = %scan3A_5 to %scan3A_7 step %scan3A_8 iter_args(%scan3A_35 = %scan3A, %scan3A_36 = %scan3A_4) -> (i32, i32)  : i32 {
      %rem3A = arith.constant 2 : i32
      %rem3A_37 = arith.remsi %scan3A_34, %rem3A : i32
      %ge3A = arith.constant 2 : i32
      %ge3A_38 = arith.cmpi sge, %scan3A_34, %ge3A : i32
      %convert_element_type3A = arith.extui %ge3A_38 : i1 to i32
      %cond3A = arith.constant 0 : i32
      %cond3A_39 = arith.cmpi ne, %convert_element_type3A, %cond3A : i32
      scf.if %cond3A_39 {
        %dma_wait3A_60 = arith.constant 0 : i32
        %dma_wait3A_61 = arith.constant 0 : i32
        %dma_wait3A_62 = tpu.memref_slice %arg8[%dma_wait3A_60, %dma_wait3A_61] : memref<256x128xf32, #tpu.memory_space<vmem>> -> memref<128x128xf32, #tpu.memory_space<vmem>>
        %dma_wait3A_63 = arith.constant 0 : i32
        %dma_wait3A_64 = arith.constant 0 : i32
        %dma_wait3A_65 = tpu.memref_slice %arg5[%dma_wait3A_63, %dma_wait3A_64] : memref<106496x128xf32, #tpu.memory_space<hbm>> -> memref<128x128xf32, #tpu.memory_space<hbm>>
        %dma_wait3A_66 = arith.constant 0 : i32
        %dma_wait3A_67 = arith.constant 0 : i32
        %dma_wait3A_68 = tpu.memref_slice %arg8[%dma_wait3A_66, %dma_wait3A_67] : memref<256x128xf32, #tpu.memory_space<vmem>> -> memref<128x128xf32, #tpu.memory_space<vmem>>
        %dma_wait3A_69 = arith.constant 0 : i32
        %dma_wait3A_70 = arith.constant 0 : i32
        %dma_wait3A_71 = tpu.memref_slice %arg5[%dma_wait3A_69, %dma_wait3A_70] : memref<106496x128xf32, #tpu.memory_space<hbm>> -> memref<128x128xf32, #tpu.memory_space<hbm>>
        tpu.wait_dma2 semaphore(%arg9 : memref<!tpu.dma_semaphore, #tpu.memory_space<semaphore_mem>>) src(%dma_wait3A_71 : memref<128x128xf32, #tpu.memory_space<hbm>>) dst(%dma_wait3A_68 : memref<128x128xf32, #tpu.memory_space<vmem>>)
      } else {
      }
      %scan3A_40 = arith.constant 0 : i32
      %scan3A_41 = arith.constant 32 : i32
      %scan3A_42 = arith.addi %scan3A_40, %scan3A_41 : i32
      %scan3A_43 = arith.constant 1 : i32
      %scan3A_44:2 = scf.for %scan3A_60 = %scan3A_40 to %scan3A_42 step %scan3A_43 iter_args(%scan3A_61 = %scan3A_35, %scan3A_62 = %scan3A_36) -> (i32, i32)  : i32 {
        %mul3A_63 = arith.constant 32 : i32
        %mul3A_64 = arith.muli %scan3A_34, %mul3A_63 : i32
        %add3A_65 = arith.addi %mul3A_64, %scan3A_60 : i32
        %mul3A_66 = arith.constant 16 : i32
        %mul3A_67 = arith.muli %add3A_65, %mul3A_66 : i32
        %add3A_68 = vector.broadcast %mul3A_67 : i32 to vector<16xi32>
        %add3A_69 = arith.addi %add3A_68, %iota3A : vector<16xi32>
        %gather3A = tpu.vector_load_idx %arg6[%add3A_69] : memref<13312xi32, #tpu.memory_space<vmem>>[vector<16xi32>], vector<16xi32>,
        %mul3A_70 = arith.constant 16 : i32
        %mul3A_71 = arith.muli %add3A_65, %mul3A_70 : i32
        %add3A_72 = arith.addi %mul3A_2, %mul3A_71 : i32
        %div3A = arith.constant 16384 : i32
        %div3A_73 = arith.divsi %add3A_72, %div3A : i32
        %shift_right_logical3A = arith.constant 14 : i32
        %shift_right_logical3A_74 = vector.broadcast %shift_right_logical3A : i32 to vector<16xi32>
        %shift_right_logical3A_75 = arith.shrui %gather3A, %shift_right_logical3A_74 : vector<16xi32>
        %mul3A_76 = arith.constant 16 : i32
        %mul3A_77 = arith.muli %scan3A_60, %mul3A_76 : i32
        %add3A_78 = vector.broadcast %mul3A_77 : i32 to vector<16xi32>
        %add3A_79 = arith.addi %add3A_78, %iota3A : vector<16xi32>
        %mul3A_80 = arith.constant 128 : i32
        %mul3A_81 = arith.muli %rem3A_37, %mul3A_80 : i32
        %shift_right_logical3A_82 = arith.constant 2 : i32
        %shift_right_logical3A_83 = vector.broadcast %shift_right_logical3A_82 : i32 to vector<16xi32>
        %shift_right_logical3A_84 = arith.shrui %add3A_79, %shift_right_logical3A_83 : vector<16xi32>
        %add3A_85 = vector.broadcast %mul3A_81 : i32 to vector<16xi32>
        %add3A_86 = arith.addi %add3A_85, %shift_right_logical3A_84 : vector<16xi32>
        %and3A = arith.constant 3 : i32
        %and3A_87 = vector.broadcast %and3A : i32 to vector<16xi32>
        %and3A_88 = arith.andi %add3A_79, %and3A_87 : vector<16xi32>
        %mul3A_89 = arith.constant 32 : i32
        %mul3A_90 = vector.broadcast %mul3A_89 : i32 to vector<16xi32>
        %mul3A_91 = arith.muli %and3A_88, %mul3A_90 : vector<16xi32>
        %lt3A = arith.constant 16 : i32
        %lt3A_92 = vector.broadcast %lt3A : i32 to vector<16xi32>
        %lt3A_93 = arith.cmpi slt, %iota3A, %lt3A_92 : vector<16xi32>
        %while3A:3 = scf.while (%while3A_94 = %lt3A_93, %while3A_95 = %scan3A_61, %while3A_96 = %scan3A_62) : (vector<16xi1>, i32, i32) -> (vector<16xi1>, i32, i32) {
          %reduce_or3A = arith.constant 1.000000e+00 : f32
          %reduce_or3A_97 = arith.constant 0.000000e+00 : f32
          %reduce_or3A_98 = vector.broadcast %reduce_or3A : f32 to vector<16xf32>
          %reduce_or3A_99 = vector.broadcast %reduce_or3A_97 : f32 to vector<16xf32>
          %reduce_or3A_100 = arith.select %while3A_94, %reduce_or3A_98, %reduce_or3A_99 : vector<16xi1>, vector<16xf32>
          %reduce_or3A_101 = arith.constant true
          %reduce_or3A_102 = vector.broadcast %reduce_or3A_101 : i1 to vector<16xi1>
          %reduce_or3A_103 = tpu.scan <max>, %reduce_or3A_100 masked %reduce_or3A_102 : vector<16xf32>, vector<16xi1> -> vector<16xf32>
          %reduce_or3A_104 = vector.extract %reduce_or3A_103[15] : f32 from vector<16xf32>
          %reduce_or3A_105 = arith.constant 0.000000e+00 : f32
          %reduce_or3A_106 = arith.cmpf ogt, %reduce_or3A_104, %reduce_or3A_105 : f32
          scf.condition(%reduce_or3A_106) %while3A_94, %while3A_95, %while3A_96 : vector<16xi1>, i32, i32
        } do {
        ^bb0(%while3A_94: vector<16xi1>, %while3A_95: i32, %while3A_96: i32):
          %jit3A = arith.constant 536870912 : i32
          %broadcast_in_dim3A_97 = vector.broadcast %jit3A : i32 to vector<16xi32>
          %select_n3A = arith.select %while3A_94, %shift_right_logical3A_75, %broadcast_in_dim3A_97 : vector<16xi1>, vector<16xi32>
          %reduce_min3A = arith.constant true
          %reduce_min3A_98 = vector.broadcast %reduce_min3A : i1 to vector<16xi1>
          %reduce_min3A_99 = arith.constant -2147483648 : i32
          %reduce_min3A_100 = vector.broadcast %reduce_min3A_99 : i32 to vector<16xi32>
          %reduce_min3A_101 = arith.xori %select_n3A, %reduce_min3A_100 : vector<16xi32>
          %reduce_min3A_102 = tpu.scan <min>, %reduce_min3A_101 masked %reduce_min3A_98 : vector<16xi32>, vector<16xi1> -> vector<16xi32>
          %reduce_min3A_103 = arith.xori %reduce_min3A_102, %reduce_min3A_100 : vector<16xi32>
          %reduce_min3A_104 = vector.extract %reduce_min3A_103[15] : i32 from vector<16xi32>
          %ne3A = arith.cmpi ne, %while3A_96, %div3A_73 : i32
          %add3A_105 = arith.constant 2048 : i32
          %add3A_106 = arith.addi %while3A_95, %add3A_105 : i32
          %ge3A_107 = arith.cmpi sge, %reduce_min3A_104, %add3A_106 : i32
          %or3A = arith.ori %ne3A, %ge3A_107 : i1
          %lt3A_108 = arith.cmpi slt, %reduce_min3A_104, %while3A_95 : i32
          %or3A_109 = arith.ori %or3A, %lt3A_108 : i1
          %shift_right_logical3A_110 = arith.constant 11 : i32
          %shift_right_logical3A_111 = arith.shrui %reduce_min3A_104, %shift_right_logical3A_110 : i32
          %shift_left3A = arith.constant 11 : i32
          %shift_left3A_112 = arith.shli %shift_right_logical3A_111, %shift_left3A : i32
          %select_n3A_113 = arith.select %or3A_109, %shift_left3A_112, %while3A_95 : i32
          %ne3A_114 = arith.constant 98304 : i32
          %ne3A_115 = arith.cmpi ne, %select_n3A_113, %ne3A_114 : i32
          %and3A_116 = arith.andi %or3A_109, %ne3A_115 : i1
          %convert_element_type3A_117 = arith.extui %and3A_116 : i1 to i32
          %cond3A_118 = arith.constant 0 : i32
          %cond3A_119 = arith.cmpi ne, %convert_element_type3A_117, %cond3A_118 : i32
          scf.if %cond3A_119 {
            %multiple_of3A = tpu.assume_multiple %select_n3A_113, 2048 : i32
            "tpu.region"() ({
              %run_scoped3A = tpu.sem_alloc : memref<!tpu.dma_semaphore, #tpu.memory_space<semaphore_mem>>
              %dma_start3A_361 = arith.constant 0 : i32
              %dma_start3A_362 = tpu.memref_slice %arg2[%div3A_73, %dma_start3A_361, %multiple_of3A] : memref<26x32x100000xf32, #tpu.memory_space<hbm>> -> memref<1x32x2048xf32, #tpu.memory_space<hbm>>
              %dma_start3A_363 = tpu.memref_squeeze %dma_start3A_362 : memref<1x32x2048xf32, #tpu.memory_space<hbm>> -> memref<32x2048xf32, #tpu.memory_space<hbm>>
              %dma_start3A_364 = arith.constant 0 : i32
              %dma_start3A_365 = tpu.memref_slice %arg2[%div3A_73, %dma_start3A_364, %multiple_of3A] : memref<26x32x100000xf32, #tpu.memory_space<hbm>> -> memref<1x32x2048xf32, #tpu.memory_space<hbm>>
              %dma_start3A_366 = tpu.memref_squeeze %dma_start3A_365 : memref<1x32x2048xf32, #tpu.memory_space<hbm>> -> memref<32x2048xf32, #tpu.memory_space<hbm>>
              tpu.enqueue_dma source(%dma_start3A_366 : memref<32x2048xf32, #tpu.memory_space<hbm>>) target(%arg7 : memref<32x2048xf32, #tpu.memory_space<vmem>>) target_semaphore(%run_scoped3A : memref<!tpu.dma_semaphore, #tpu.memory_space<semaphore_mem>>)
              %dma_wait3A_367 = arith.constant 0 : i32
              %dma_wait3A_368 = tpu.memref_slice %arg2[%div3A_73, %dma_wait3A_367, %multiple_of3A] : memref<26x32x100000xf32, #tpu.memory_space<hbm>> -> memref<1x32x2048xf32, #tpu.memory_space<hbm>>
              %dma_wait3A_369 = tpu.memref_squeeze %dma_wait3A_368 : memref<1x32x2048xf32, #tpu.memory_space<hbm>> -> memref<32x2048xf32, #tpu.memory_space<hbm>>
              %dma_wait3A_370 = arith.constant 0 : i32
              %dma_wait3A_371 = tpu.memref_slice %arg2[%div3A_73, %dma_wait3A_370, %multiple_of3A] : memref<26x32x100000xf32, #tpu.memory_space<hbm>> -> memref<1x32x2048xf32, #tpu.memory_space<hbm>>
              %dma_wait3A_372 = tpu.memref_squeeze %dma_wait3A_371 : memref<1x32x2048xf32, #tpu.memory_space<hbm>> -> memref<32x2048xf32, #tpu.memory_space<hbm>>
              tpu.wait_dma2 semaphore(%run_scoped3A : memref<!tpu.dma_semaphore, #tpu.memory_space<semaphore_mem>>) src(%dma_wait3A_372 : memref<32x2048xf32, #tpu.memory_space<hbm>>) dst(%arg7 : memref<32x2048xf32, #tpu.memory_space<vmem>>)
              tpu.yield
            }) : () -> ()
          } else {
          }
          %eq3A = arith.constant 98304 : i32
          %eq3A_120 = arith.cmpi eq, %select_n3A_113, %eq3A : i32
          %and3A_121 = arith.andi %or3A_109, %eq3A_120 : i1
          %convert_element_type3A_122 = arith.extui %and3A_121 : i1 to i32
          %cond3A_123 = arith.constant 0 : i32
          %cond3A_124 = arith.cmpi ne, %convert_element_type3A_122, %cond3A_123 : i32
          scf.if %cond3A_124 {
            "tpu.region"() ({
              %run_scoped3A = tpu.sem_alloc : memref<!tpu.dma_semaphore, #tpu.memory_space<semaphore_mem>>
              %dma_start3A_361 = arith.constant 0 : i32
              %dma_start3A_362 = arith.constant 0 : i32
              %dma_start3A_363 = tpu.memref_slice %arg7[%dma_start3A_361, %dma_start3A_362] : memref<32x2048xf32, #tpu.memory_space<vmem>> -> memref<32x1792xf32, #tpu.memory_space<vmem>>
              %dma_start3A_364 = arith.constant 0 : i32
              %dma_start3A_365 = arith.constant 0 : i32
              %dma_start3A_366 = tpu.memref_slice %arg3[%div3A_73, %dma_start3A_364, %dma_start3A_365] : memref<26x32x1792xf32, #tpu.memory_space<hbm>> -> memref<1x32x1792xf32, #tpu.memory_space<hbm>>
              %dma_start3A_367 = tpu.memref_squeeze %dma_start3A_366 : memref<1x32x1792xf32, #tpu.memory_space<hbm>> -> memref<32x1792xf32, #tpu.memory_space<hbm>>
              %dma_start3A_368 = arith.constant 0 : i32
              %dma_start3A_369 = arith.constant 0 : i32
              %dma_start3A_370 = tpu.memref_slice %arg7[%dma_start3A_368, %dma_start3A_369] : memref<32x2048xf32, #tpu.memory_space<vmem>> -> memref<32x1792xf32, #tpu.memory_space<vmem>>
              %dma_start3A_371 = arith.constant 0 : i32
              %dma_start3A_372 = arith.constant 0 : i32
              %dma_start3A_373 = tpu.memref_slice %arg3[%div3A_73, %dma_start3A_371, %dma_start3A_372] : memref<26x32x1792xf32, #tpu.memory_space<hbm>> -> memref<1x32x1792xf32, #tpu.memory_space<hbm>>
              %dma_start3A_374 = tpu.memref_squeeze %dma_start3A_373 : memref<1x32x1792xf32, #tpu.memory_space<hbm>> -> memref<32x1792xf32, #tpu.memory_space<hbm>>
              tpu.enqueue_dma source(%dma_start3A_374 : memref<32x1792xf32, #tpu.memory_space<hbm>>) target(%dma_start3A_370 : memref<32x1792xf32, #tpu.memory_space<vmem>>) target_semaphore(%run_scoped3A : memref<!tpu.dma_semaphore, #tpu.memory_space<semaphore_mem>>)
              %dma_wait3A_375 = arith.constant 0 : i32
              %dma_wait3A_376 = arith.constant 0 : i32
              %dma_wait3A_377 = tpu.memref_slice %arg7[%dma_wait3A_375, %dma_wait3A_376] : memref<32x2048xf32, #tpu.memory_space<vmem>> -> memref<32x1792xf32, #tpu.memory_space<vmem>>
              %dma_wait3A_378 = arith.constant 0 : i32
              %dma_wait3A_379 = arith.constant 0 : i32
              %dma_wait3A_380 = tpu.memref_slice %arg3[%div3A_73, %dma_wait3A_378, %dma_wait3A_379] : memref<26x32x1792xf32, #tpu.memory_space<hbm>> -> memref<1x32x1792xf32, #tpu.memory_space<hbm>>
              %dma_wait3A_381 = tpu.memref_squeeze %dma_wait3A_380 : memref<1x32x1792xf32, #tpu.memory_space<hbm>> -> memref<32x1792xf32, #tpu.memory_space<hbm>>
              %dma_wait3A_382 = arith.constant 0 : i32
              %dma_wait3A_383 = arith.constant 0 : i32
              %dma_wait3A_384 = tpu.memref_slice %arg7[%dma_wait3A_382, %dma_wait3A_383] : memref<32x2048xf32, #tpu.memory_space<vmem>> -> memref<32x1792xf32, #tpu.memory_space<vmem>>
              %dma_wait3A_385 = arith.constant 0 : i32
              %dma_wait3A_386 = arith.constant 0 : i32
              %dma_wait3A_387 = tpu.memref_slice %arg3[%div3A_73, %dma_wait3A_385, %dma_wait3A_386] : memref<26x32x1792xf32, #tpu.memory_space<hbm>> -> memref<1x32x1792xf32, #tpu.memory_space<hbm>>
              %dma_wait3A_388 = tpu.memref_squeeze %dma_wait3A_387 : memref<1x32x1792xf32, #tpu.memory_space<hbm>> -> memref<32x1792xf32, #tpu.memory_space<hbm>>
              tpu.wait_dma2 semaphore(%run_scoped3A : memref<!tpu.dma_semaphore, #tpu.memory_space<semaphore_mem>>) src(%dma_wait3A_388 : memref<32x1792xf32, #tpu.memory_space<hbm>>) dst(%dma_wait3A_384 : memref<32x1792xf32, #tpu.memory_space<vmem>>)
              tpu.yield
            }) : () -> ()
          } else {
          }
          %ge3A_125 = vector.broadcast %select_n3A_113 : i32 to vector<16xi32>
          %ge3A_126 = arith.cmpi sge, %shift_right_logical3A_75, %ge3A_125 : vector<16xi32>
          %and3A_127 = arith.andi %while3A_94, %ge3A_126 : vector<16xi1>
          %add3A_128 = arith.constant 2048 : i32
          %add3A_129 = arith.addi %select_n3A_113, %add3A_128 : i32
          %lt3A_130 = vector.broadcast %add3A_129 : i32 to vector<16xi32>
          %lt3A_131 = arith.cmpi slt, %shift_right_logical3A_75, %lt3A_130 : vector<16xi32>
          %and3A_132 = arith.andi %and3A_127, %lt3A_131 : vector<16xi1>
          %sub3A = vector.broadcast %select_n3A_113 : i32 to vector<16xi32>
          %sub3A_133 = arith.subi %shift_right_logical3A_75, %sub3A : vector<16xi32>
          %add3A_134 = arith.constant 0 : i32
          %add3A_135 = vector.broadcast %add3A_134 : i32 to vector<16xi32>
          %add3A_136 = arith.addi %broadcast_in_dim3A_3, %add3A_135 : vector<16xi32>
          %gather3A_137 = tpu.vector_load_idx %arg7[%add3A_136, %sub3A_133] masked %and3A_132 : memref<32x2048xf32, #tpu.memory_space<vmem>>[vector<16xi32>, vector<16xi32>], vector<16xf32>, vector<16xi1>
          %add3A_138 = arith.constant 0 : i32
          %add3A_139 = vector.broadcast %add3A_138 : i32 to vector<16xi32>
          %add3A_140 = arith.addi %mul3A_91, %add3A_139 : vector<16xi32>
          tpu.vector_store_idx %arg8[%add3A_86, %add3A_140], %gather3A_137 masked %and3A_132 : memref<256x128xf32, #tpu.memory_space<vmem>>[vector<16xi32>, vector<16xi32>], vector<16xf32>, vector<16xi1>
          %add3A_141 = arith.constant 1 : i32
          %add3A_142 = vector.broadcast %add3A_141 : i32 to vector<16xi32>
          %add3A_143 = arith.addi %broadcast_in_dim3A_3, %add3A_142 : vector<16xi32>
          %gather3A_144 = tpu.vector_load_idx %arg7[%add3A_143, %sub3A_133] masked %and3A_132 : memref<32x2048xf32, #tpu.memory_space<vmem>>[vector<16xi32>, vector<16xi32>], vector<16xf32>, vector<16xi1>
          %add3A_145 = arith.constant 1 : i32
          %add3A_146 = vector.broadcast %add3A_145 : i32 to vector<16xi32>
          %add3A_147 = arith.addi %mul3A_91, %add3A_146 : vector<16xi32>
          tpu.vector_store_idx %arg8[%add3A_86, %add3A_147], %gather3A_144 masked %and3A_132 : memref<256x128xf32, #tpu.memory_space<vmem>>[vector<16xi32>, vector<16xi32>], vector<16xf32>, vector<16xi1>
          %add3A_148 = arith.constant 2 : i32
          %add3A_149 = vector.broadcast %add3A_148 : i32 to vector<16xi32>
          %add3A_150 = arith.addi %broadcast_in_dim3A_3, %add3A_149 : vector<16xi32>
          %gather3A_151 = tpu.vector_load_idx %arg7[%add3A_150, %sub3A_133] masked %and3A_132 : memref<32x2048xf32, #tpu.memory_space<vmem>>[vector<16xi32>, vector<16xi32>], vector<16xf32>, vector<16xi1>
          %add3A_152 = arith.constant 2 : i32
          %add3A_153 = vector.broadcast %add3A_152 : i32 to vector<16xi32>
          %add3A_154 = arith.addi %mul3A_91, %add3A_153 : vector<16xi32>
          tpu.vector_store_idx %arg8[%add3A_86, %add3A_154], %gather3A_151 masked %and3A_132 : memref<256x128xf32, #tpu.memory_space<vmem>>[vector<16xi32>, vector<16xi32>], vector<16xf32>, vector<16xi1>
          %add3A_155 = arith.constant 3 : i32
          %add3A_156 = vector.broadcast %add3A_155 : i32 to vector<16xi32>
          %add3A_157 = arith.addi %broadcast_in_dim3A_3, %add3A_156 : vector<16xi32>
          %gather3A_158 = tpu.vector_load_idx %arg7[%add3A_157, %sub3A_133] masked %and3A_132 : memref<32x2048xf32, #tpu.memory_space<vmem>>[vector<16xi32>, vector<16xi32>], vector<16xf32>, vector<16xi1>
          %add3A_159 = arith.constant 3 : i32
          %add3A_160 = vector.broadcast %add3A_159 : i32 to vector<16xi32>
          %add3A_161 = arith.addi %mul3A_91, %add3A_160 : vector<16xi32>
          tpu.vector_store_idx %arg8[%add3A_86, %add3A_161], %gather3A_158 masked %and3A_132 : memref<256x128xf32, #tpu.memory_space<vmem>>[vector<16xi32>, vector<16xi32>], vector<16xf32>, vector<16xi1>
          %add3A_162 = arith.constant 4 : i32
          %add3A_163 = vector.broadcast %add3A_162 : i32 to vector<16xi32>
          %add3A_164 = arith.addi %broadcast_in_dim3A_3, %add3A_163 : vector<16xi32>
          %gather3A_165 = tpu.vector_load_idx %arg7[%add3A_164, %sub3A_133] masked %and3A_132 : memref<32x2048xf32, #tpu.memory_space<vmem>>[vector<16xi32>, vector<16xi32>], vector<16xf32>, vector<16xi1>
          %add3A_166 = arith.constant 4 : i32
          %add3A_167 = vector.broadcast %add3A_166 : i32 to vector<16xi32>
          %add3A_168 = arith.addi %mul3A_91, %add3A_167 : vector<16xi32>
          tpu.vector_store_idx %arg8[%add3A_86, %add3A_168], %gather3A_165 masked %and3A_132 : memref<256x128xf32, #tpu.memory_space<vmem>>[vector<16xi32>, vector<16xi32>], vector<16xf32>, vector<16xi1>
          %add3A_169 = arith.constant 5 : i32
          %add3A_170 = vector.broadcast %add3A_169 : i32 to vector<16xi32>
          %add3A_171 = arith.addi %broadcast_in_dim3A_3, %add3A_170 : vector<16xi32>
          %gather3A_172 = tpu.vector_load_idx %arg7[%add3A_171, %sub3A_133] masked %and3A_132 : memref<32x2048xf32, #tpu.memory_space<vmem>>[vector<16xi32>, vector<16xi32>], vector<16xf32>, vector<16xi1>
          %add3A_173 = arith.constant 5 : i32
          %add3A_174 = vector.broadcast %add3A_173 : i32 to vector<16xi32>
          %add3A_175 = arith.addi %mul3A_91, %add3A_174 : vector<16xi32>
          tpu.vector_store_idx %arg8[%add3A_86, %add3A_175], %gather3A_172 masked %and3A_132 : memref<256x128xf32, #tpu.memory_space<vmem>>[vector<16xi32>, vector<16xi32>], vector<16xf32>, vector<16xi1>
          %add3A_176 = arith.constant 6 : i32
          %add3A_177 = vector.broadcast %add3A_176 : i32 to vector<16xi32>
          %add3A_178 = arith.addi %broadcast_in_dim3A_3, %add3A_177 : vector<16xi32>
          %gather3A_179 = tpu.vector_load_idx %arg7[%add3A_178, %sub3A_133] masked %and3A_132 : memref<32x2048xf32, #tpu.memory_space<vmem>>[vector<16xi32>, vector<16xi32>], vector<16xf32>, vector<16xi1>
          %add3A_180 = arith.constant 6 : i32
          %add3A_181 = vector.broadcast %add3A_180 : i32 to vector<16xi32>
          %add3A_182 = arith.addi %mul3A_91, %add3A_181 : vector<16xi32>
          tpu.vector_store_idx %arg8[%add3A_86, %add3A_182], %gather3A_179 masked %and3A_132 : memref<256x128xf32, #tpu.memory_space<vmem>>[vector<16xi32>, vector<16xi32>], vector<16xf32>, vector<16xi1>
          %add3A_183 = arith.constant 7 : i32
          %add3A_184 = vector.broadcast %add3A_183 : i32 to vector<16xi32>
          %add3A_185 = arith.addi %broadcast_in_dim3A_3, %add3A_184 : vector<16xi32>
          %gather3A_186 = tpu.vector_load_idx %arg7[%add3A_185, %sub3A_133] masked %and3A_132 : memref<32x2048xf32, #tpu.memory_space<vmem>>[vector<16xi32>, vector<16xi32>], vector<16xf32>, vector<16xi1>
          %add3A_187 = arith.constant 7 : i32
          %add3A_188 = vector.broadcast %add3A_187 : i32 to vector<16xi32>
          %add3A_189 = arith.addi %mul3A_91, %add3A_188 : vector<16xi32>
          tpu.vector_store_idx %arg8[%add3A_86, %add3A_189], %gather3A_186 masked %and3A_132 : memref<256x128xf32, #tpu.memory_space<vmem>>[vector<16xi32>, vector<16xi32>], vector<16xf32>, vector<16xi1>
          %add3A_190 = arith.constant 8 : i32
          %add3A_191 = vector.broadcast %add3A_190 : i32 to vector<16xi32>
          %add3A_192 = arith.addi %broadcast_in_dim3A_3, %add3A_191 : vector<16xi32>
          %gather3A_193 = tpu.vector_load_idx %arg7[%add3A_192, %sub3A_133] masked %and3A_132 : memref<32x2048xf32, #tpu.memory_space<vmem>>[vector<16xi32>, vector<16xi32>], vector<16xf32>, vector<16xi1>
          %add3A_194 = arith.constant 8 : i32
          %add3A_195 = vector.broadcast %add3A_194 : i32 to vector<16xi32>
          %add3A_196 = arith.addi %mul3A_91, %add3A_195 : vector<16xi32>
          tpu.vector_store_idx %arg8[%add3A_86, %add3A_196], %gather3A_193 masked %and3A_132 : memref<256x128xf32, #tpu.memory_space<vmem>>[vector<16xi32>, vector<16xi32>], vector<16xf32>, vector<16xi1>
          %add3A_197 = arith.constant 9 : i32
          %add3A_198 = vector.broadcast %add3A_197 : i32 to vector<16xi32>
          %add3A_199 = arith.addi %broadcast_in_dim3A_3, %add3A_198 : vector<16xi32>
          %gather3A_200 = tpu.vector_load_idx %arg7[%add3A_199, %sub3A_133] masked %and3A_132 : memref<32x2048xf32, #tpu.memory_space<vmem>>[vector<16xi32>, vector<16xi32>], vector<16xf32>, vector<16xi1>
          %add3A_201 = arith.constant 9 : i32
          %add3A_202 = vector.broadcast %add3A_201 : i32 to vector<16xi32>
          %add3A_203 = arith.addi %mul3A_91, %add3A_202 : vector<16xi32>
          tpu.vector_store_idx %arg8[%add3A_86, %add3A_203], %gather3A_200 masked %and3A_132 : memref<256x128xf32, #tpu.memory_space<vmem>>[vector<16xi32>, vector<16xi32>], vector<16xf32>, vector<16xi1>
          %add3A_204 = arith.constant 10 : i32
          %add3A_205 = vector.broadcast %add3A_204 : i32 to vector<16xi32>
          %add3A_206 = arith.addi %broadcast_in_dim3A_3, %add3A_205 : vector<16xi32>
          %gather3A_207 = tpu.vector_load_idx %arg7[%add3A_206, %sub3A_133] masked %and3A_132 : memref<32x2048xf32, #tpu.memory_space<vmem>>[vector<16xi32>, vector<16xi32>], vector<16xf32>, vector<16xi1>
          %add3A_208 = arith.constant 10 : i32
          %add3A_209 = vector.broadcast %add3A_208 : i32 to vector<16xi32>
          %add3A_210 = arith.addi %mul3A_91, %add3A_209 : vector<16xi32>
          tpu.vector_store_idx %arg8[%add3A_86, %add3A_210], %gather3A_207 masked %and3A_132 : memref<256x128xf32, #tpu.memory_space<vmem>>[vector<16xi32>, vector<16xi32>], vector<16xf32>, vector<16xi1>
          %add3A_211 = arith.constant 11 : i32
          %add3A_212 = vector.broadcast %add3A_211 : i32 to vector<16xi32>
          %add3A_213 = arith.addi %broadcast_in_dim3A_3, %add3A_212 : vector<16xi32>
          %gather3A_214 = tpu.vector_load_idx %arg7[%add3A_213, %sub3A_133] masked %and3A_132 : memref<32x2048xf32, #tpu.memory_space<vmem>>[vector<16xi32>, vector<16xi32>], vector<16xf32>, vector<16xi1>
          %add3A_215 = arith.constant 11 : i32
          %add3A_216 = vector.broadcast %add3A_215 : i32 to vector<16xi32>
          %add3A_217 = arith.addi %mul3A_91, %add3A_216 : vector<16xi32>
          tpu.vector_store_idx %arg8[%add3A_86, %add3A_217], %gather3A_214 masked %and3A_132 : memref<256x128xf32, #tpu.memory_space<vmem>>[vector<16xi32>, vector<16xi32>], vector<16xf32>, vector<16xi1>
          %add3A_218 = arith.constant 12 : i32
          %add3A_219 = vector.broadcast %add3A_218 : i32 to vector<16xi32>
          %add3A_220 = arith.addi %broadcast_in_dim3A_3, %add3A_219 : vector<16xi32>
          %gather3A_221 = tpu.vector_load_idx %arg7[%add3A_220, %sub3A_133] masked %and3A_132 : memref<32x2048xf32, #tpu.memory_space<vmem>>[vector<16xi32>, vector<16xi32>], vector<16xf32>, vector<16xi1>
          %add3A_222 = arith.constant 12 : i32
          %add3A_223 = vector.broadcast %add3A_222 : i32 to vector<16xi32>
          %add3A_224 = arith.addi %mul3A_91, %add3A_223 : vector<16xi32>
          tpu.vector_store_idx %arg8[%add3A_86, %add3A_224], %gather3A_221 masked %and3A_132 : memref<256x128xf32, #tpu.memory_space<vmem>>[vector<16xi32>, vector<16xi32>], vector<16xf32>, vector<16xi1>
          %add3A_225 = arith.constant 13 : i32
          %add3A_226 = vector.broadcast %add3A_225 : i32 to vector<16xi32>
          %add3A_227 = arith.addi %broadcast_in_dim3A_3, %add3A_226 : vector<16xi32>
          %gather3A_228 = tpu.vector_load_idx %arg7[%add3A_227, %sub3A_133] masked %and3A_132 : memref<32x2048xf32, #tpu.memory_space<vmem>>[vector<16xi32>, vector<16xi32>], vector<16xf32>, vector<16xi1>
          %add3A_229 = arith.constant 13 : i32
          %add3A_230 = vector.broadcast %add3A_229 : i32 to vector<16xi32>
          %add3A_231 = arith.addi %mul3A_91, %add3A_230 : vector<16xi32>
          tpu.vector_store_idx %arg8[%add3A_86, %add3A_231], %gather3A_228 masked %and3A_132 : memref<256x128xf32, #tpu.memory_space<vmem>>[vector<16xi32>, vector<16xi32>], vector<16xf32>, vector<16xi1>
          %add3A_232 = arith.constant 14 : i32
          %add3A_233 = vector.broadcast %add3A_232 : i32 to vector<16xi32>
          %add3A_234 = arith.addi %broadcast_in_dim3A_3, %add3A_233 : vector<16xi32>
          %gather3A_235 = tpu.vector_load_idx %arg7[%add3A_234, %sub3A_133] masked %and3A_132 : memref<32x2048xf32, #tpu.memory_space<vmem>>[vector<16xi32>, vector<16xi32>], vector<16xf32>, vector<16xi1>
          %add3A_236 = arith.constant 14 : i32
          %add3A_237 = vector.broadcast %add3A_236 : i32 to vector<16xi32>
          %add3A_238 = arith.addi %mul3A_91, %add3A_237 : vector<16xi32>
          tpu.vector_store_idx %arg8[%add3A_86, %add3A_238], %gather3A_235 masked %and3A_132 : memref<256x128xf32, #tpu.memory_space<vmem>>[vector<16xi32>, vector<16xi32>], vector<16xf32>, vector<16xi1>
          %add3A_239 = arith.constant 15 : i32
          %add3A_240 = vector.broadcast %add3A_239 : i32 to vector<16xi32>
          %add3A_241 = arith.addi %broadcast_in_dim3A_3, %add3A_240 : vector<16xi32>
          %gather3A_242 = tpu.vector_load_idx %arg7[%add3A_241, %sub3A_133] masked %and3A_132 : memref<32x2048xf32, #tpu.memory_space<vmem>>[vector<16xi32>, vector<16xi32>], vector<16xf32>, vector<16xi1>
          %add3A_243 = arith.constant 15 : i32
          %add3A_244 = vector.broadcast %add3A_243 : i32 to vector<16xi32>
          %add3A_245 = arith.addi %mul3A_91, %add3A_244 : vector<16xi32>
          tpu.vector_store_idx %arg8[%add3A_86, %add3A_245], %gather3A_242 masked %and3A_132 : memref<256x128xf32, #tpu.memory_space<vmem>>[vector<16xi32>, vector<16xi32>], vector<16xf32>, vector<16xi1>
          %add3A_246 = arith.constant 16 : i32
          %add3A_247 = vector.broadcast %add3A_246 : i32 to vector<16xi32>
          %add3A_248 = arith.addi %broadcast_in_dim3A_3, %add3A_247 : vector<16xi32>
          %gather3A_249 = tpu.vector_load_idx %arg7[%add3A_248, %sub3A_133] masked %and3A_132 : memref<32x2048xf32, #tpu.memory_space<vmem>>[vector<16xi32>, vector<16xi32>], vector<16xf32>, vector<16xi1>
          %add3A_250 = arith.constant 16 : i32
          %add3A_251 = vector.broadcast %add3A_250 : i32 to vector<16xi32>
          %add3A_252 = arith.addi %mul3A_91, %add3A_251 : vector<16xi32>
          tpu.vector_store_idx %arg8[%add3A_86, %add3A_252], %gather3A_249 masked %and3A_132 : memref<256x128xf32, #tpu.memory_space<vmem>>[vector<16xi32>, vector<16xi32>], vector<16xf32>, vector<16xi1>
          %add3A_253 = arith.constant 17 : i32
          %add3A_254 = vector.broadcast %add3A_253 : i32 to vector<16xi32>
          %add3A_255 = arith.addi %broadcast_in_dim3A_3, %add3A_254 : vector<16xi32>
          %gather3A_256 = tpu.vector_load_idx %arg7[%add3A_255, %sub3A_133] masked %and3A_132 : memref<32x2048xf32, #tpu.memory_space<vmem>>[vector<16xi32>, vector<16xi32>], vector<16xf32>, vector<16xi1>
          %add3A_257 = arith.constant 17 : i32
          %add3A_258 = vector.broadcast %add3A_257 : i32 to vector<16xi32>
          %add3A_259 = arith.addi %mul3A_91, %add3A_258 : vector<16xi32>
          tpu.vector_store_idx %arg8[%add3A_86, %add3A_259], %gather3A_256 masked %and3A_132 : memref<256x128xf32, #tpu.memory_space<vmem>>[vector<16xi32>, vector<16xi32>], vector<16xf32>, vector<16xi1>
          %add3A_260 = arith.constant 18 : i32
          %add3A_261 = vector.broadcast %add3A_260 : i32 to vector<16xi32>
          %add3A_262 = arith.addi %broadcast_in_dim3A_3, %add3A_261 : vector<16xi32>
          %gather3A_263 = tpu.vector_load_idx %arg7[%add3A_262, %sub3A_133] masked %and3A_132 : memref<32x2048xf32, #tpu.memory_space<vmem>>[vector<16xi32>, vector<16xi32>], vector<16xf32>, vector<16xi1>
          %add3A_264 = arith.constant 18 : i32
          %add3A_265 = vector.broadcast %add3A_264 : i32 to vector<16xi32>
          %add3A_266 = arith.addi %mul3A_91, %add3A_265 : vector<16xi32>
          tpu.vector_store_idx %arg8[%add3A_86, %add3A_266], %gather3A_263 masked %and3A_132 : memref<256x128xf32, #tpu.memory_space<vmem>>[vector<16xi32>, vector<16xi32>], vector<16xf32>, vector<16xi1>
          %add3A_267 = arith.constant 19 : i32
          %add3A_268 = vector.broadcast %add3A_267 : i32 to vector<16xi32>
          %add3A_269 = arith.addi %broadcast_in_dim3A_3, %add3A_268 : vector<16xi32>
          %gather3A_270 = tpu.vector_load_idx %arg7[%add3A_269, %sub3A_133] masked %and3A_132 : memref<32x2048xf32, #tpu.memory_space<vmem>>[vector<16xi32>, vector<16xi32>], vector<16xf32>, vector<16xi1>
          %add3A_271 = arith.constant 19 : i32
          %add3A_272 = vector.broadcast %add3A_271 : i32 to vector<16xi32>
          %add3A_273 = arith.addi %mul3A_91, %add3A_272 : vector<16xi32>
          tpu.vector_store_idx %arg8[%add3A_86, %add3A_273], %gather3A_270 masked %and3A_132 : memref<256x128xf32, #tpu.memory_space<vmem>>[vector<16xi32>, vector<16xi32>], vector<16xf32>, vector<16xi1>
          %add3A_274 = arith.constant 20 : i32
          %add3A_275 = vector.broadcast %add3A_274 : i32 to vector<16xi32>
          %add3A_276 = arith.addi %broadcast_in_dim3A_3, %add3A_275 : vector<16xi32>
          %gather3A_277 = tpu.vector_load_idx %arg7[%add3A_276, %sub3A_133] masked %and3A_132 : memref<32x2048xf32, #tpu.memory_space<vmem>>[vector<16xi32>, vector<16xi32>], vector<16xf32>, vector<16xi1>
          %add3A_278 = arith.constant 20 : i32
          %add3A_279 = vector.broadcast %add3A_278 : i32 to vector<16xi32>
          %add3A_280 = arith.addi %mul3A_91, %add3A_279 : vector<16xi32>
          tpu.vector_store_idx %arg8[%add3A_86, %add3A_280], %gather3A_277 masked %and3A_132 : memref<256x128xf32, #tpu.memory_space<vmem>>[vector<16xi32>, vector<16xi32>], vector<16xf32>, vector<16xi1>
          %add3A_281 = arith.constant 21 : i32
          %add3A_282 = vector.broadcast %add3A_281 : i32 to vector<16xi32>
          %add3A_283 = arith.addi %broadcast_in_dim3A_3, %add3A_282 : vector<16xi32>
          %gather3A_284 = tpu.vector_load_idx %arg7[%add3A_283, %sub3A_133] masked %and3A_132 : memref<32x2048xf32, #tpu.memory_space<vmem>>[vector<16xi32>, vector<16xi32>], vector<16xf32>, vector<16xi1>
          %add3A_285 = arith.constant 21 : i32
          %add3A_286 = vector.broadcast %add3A_285 : i32 to vector<16xi32>
          %add3A_287 = arith.addi %mul3A_91, %add3A_286 : vector<16xi32>
          tpu.vector_store_idx %arg8[%add3A_86, %add3A_287], %gather3A_284 masked %and3A_132 : memref<256x128xf32, #tpu.memory_space<vmem>>[vector<16xi32>, vector<16xi32>], vector<16xf32>, vector<16xi1>
          %add3A_288 = arith.constant 22 : i32
          %add3A_289 = vector.broadcast %add3A_288 : i32 to vector<16xi32>
          %add3A_290 = arith.addi %broadcast_in_dim3A_3, %add3A_289 : vector<16xi32>
          %gather3A_291 = tpu.vector_load_idx %arg7[%add3A_290, %sub3A_133] masked %and3A_132 : memref<32x2048xf32, #tpu.memory_space<vmem>>[vector<16xi32>, vector<16xi32>], vector<16xf32>, vector<16xi1>
          %add3A_292 = arith.constant 22 : i32
          %add3A_293 = vector.broadcast %add3A_292 : i32 to vector<16xi32>
          %add3A_294 = arith.addi %mul3A_91, %add3A_293 : vector<16xi32>
          tpu.vector_store_idx %arg8[%add3A_86, %add3A_294], %gather3A_291 masked %and3A_132 : memref<256x128xf32, #tpu.memory_space<vmem>>[vector<16xi32>, vector<16xi32>], vector<16xf32>, vector<16xi1>
          %add3A_295 = arith.constant 23 : i32
          %add3A_296 = vector.broadcast %add3A_295 : i32 to vector<16xi32>
          %add3A_297 = arith.addi %broadcast_in_dim3A_3, %add3A_296 : vector<16xi32>
          %gather3A_298 = tpu.vector_load_idx %arg7[%add3A_297, %sub3A_133] masked %and3A_132 : memref<32x2048xf32, #tpu.memory_space<vmem>>[vector<16xi32>, vector<16xi32>], vector<16xf32>, vector<16xi1>
          %add3A_299 = arith.constant 23 : i32
          %add3A_300 = vector.broadcast %add3A_299 : i32 to vector<16xi32>
          %add3A_301 = arith.addi %mul3A_91, %add3A_300 : vector<16xi32>
          tpu.vector_store_idx %arg8[%add3A_86, %add3A_301], %gather3A_298 masked %and3A_132 : memref<256x128xf32, #tpu.memory_space<vmem>>[vector<16xi32>, vector<16xi32>], vector<16xf32>, vector<16xi1>
          %add3A_302 = arith.constant 24 : i32
          %add3A_303 = vector.broadcast %add3A_302 : i32 to vector<16xi32>
          %add3A_304 = arith.addi %broadcast_in_dim3A_3, %add3A_303 : vector<16xi32>
          %gather3A_305 = tpu.vector_load_idx %arg7[%add3A_304, %sub3A_133] masked %and3A_132 : memref<32x2048xf32, #tpu.memory_space<vmem>>[vector<16xi32>, vector<16xi32>], vector<16xf32>, vector<16xi1>
          %add3A_306 = arith.constant 24 : i32
          %add3A_307 = vector.broadcast %add3A_306 : i32 to vector<16xi32>
          %add3A_308 = arith.addi %mul3A_91, %add3A_307 : vector<16xi32>
          tpu.vector_store_idx %arg8[%add3A_86, %add3A_308], %gather3A_305 masked %and3A_132 : memref<256x128xf32, #tpu.memory_space<vmem>>[vector<16xi32>, vector<16xi32>], vector<16xf32>, vector<16xi1>
          %add3A_309 = arith.constant 25 : i32
          %add3A_310 = vector.broadcast %add3A_309 : i32 to vector<16xi32>
          %add3A_311 = arith.addi %broadcast_in_dim3A_3, %add3A_310 : vector<16xi32>
          %gather3A_312 = tpu.vector_load_idx %arg7[%add3A_311, %sub3A_133] masked %and3A_132 : memref<32x2048xf32, #tpu.memory_space<vmem>>[vector<16xi32>, vector<16xi32>], vector<16xf32>, vector<16xi1>
          %add3A_313 = arith.constant 25 : i32
          %add3A_314 = vector.broadcast %add3A_313 : i32 to vector<16xi32>
          %add3A_315 = arith.addi %mul3A_91, %add3A_314 : vector<16xi32>
          tpu.vector_store_idx %arg8[%add3A_86, %add3A_315], %gather3A_312 masked %and3A_132 : memref<256x128xf32, #tpu.memory_space<vmem>>[vector<16xi32>, vector<16xi32>], vector<16xf32>, vector<16xi1>
          %add3A_316 = arith.constant 26 : i32
          %add3A_317 = vector.broadcast %add3A_316 : i32 to vector<16xi32>
          %add3A_318 = arith.addi %broadcast_in_dim3A_3, %add3A_317 : vector<16xi32>
          %gather3A_319 = tpu.vector_load_idx %arg7[%add3A_318, %sub3A_133] masked %and3A_132 : memref<32x2048xf32, #tpu.memory_space<vmem>>[vector<16xi32>, vector<16xi32>], vector<16xf32>, vector<16xi1>
          %add3A_320 = arith.constant 26 : i32
          %add3A_321 = vector.broadcast %add3A_320 : i32 to vector<16xi32>
          %add3A_322 = arith.addi %mul3A_91, %add3A_321 : vector<16xi32>
          tpu.vector_store_idx %arg8[%add3A_86, %add3A_322], %gather3A_319 masked %and3A_132 : memref<256x128xf32, #tpu.memory_space<vmem>>[vector<16xi32>, vector<16xi32>], vector<16xf32>, vector<16xi1>
          %add3A_323 = arith.constant 27 : i32
          %add3A_324 = vector.broadcast %add3A_323 : i32 to vector<16xi32>
          %add3A_325 = arith.addi %broadcast_in_dim3A_3, %add3A_324 : vector<16xi32>
          %gather3A_326 = tpu.vector_load_idx %arg7[%add3A_325, %sub3A_133] masked %and3A_132 : memref<32x2048xf32, #tpu.memory_space<vmem>>[vector<16xi32>, vector<16xi32>], vector<16xf32>, vector<16xi1>
          %add3A_327 = arith.constant 27 : i32
          %add3A_328 = vector.broadcast %add3A_327 : i32 to vector<16xi32>
          %add3A_329 = arith.addi %mul3A_91, %add3A_328 : vector<16xi32>
          tpu.vector_store_idx %arg8[%add3A_86, %add3A_329], %gather3A_326 masked %and3A_132 : memref<256x128xf32, #tpu.memory_space<vmem>>[vector<16xi32>, vector<16xi32>], vector<16xf32>, vector<16xi1>
          %add3A_330 = arith.constant 28 : i32
          %add3A_331 = vector.broadcast %add3A_330 : i32 to vector<16xi32>
          %add3A_332 = arith.addi %broadcast_in_dim3A_3, %add3A_331 : vector<16xi32>
          %gather3A_333 = tpu.vector_load_idx %arg7[%add3A_332, %sub3A_133] masked %and3A_132 : memref<32x2048xf32, #tpu.memory_space<vmem>>[vector<16xi32>, vector<16xi32>], vector<16xf32>, vector<16xi1>
          %add3A_334 = arith.constant 28 : i32
          %add3A_335 = vector.broadcast %add3A_334 : i32 to vector<16xi32>
          %add3A_336 = arith.addi %mul3A_91, %add3A_335 : vector<16xi32>
          tpu.vector_store_idx %arg8[%add3A_86, %add3A_336], %gather3A_333 masked %and3A_132 : memref<256x128xf32, #tpu.memory_space<vmem>>[vector<16xi32>, vector<16xi32>], vector<16xf32>, vector<16xi1>
          %add3A_337 = arith.constant 29 : i32
          %add3A_338 = vector.broadcast %add3A_337 : i32 to vector<16xi32>
          %add3A_339 = arith.addi %broadcast_in_dim3A_3, %add3A_338 : vector<16xi32>
          %gather3A_340 = tpu.vector_load_idx %arg7[%add3A_339, %sub3A_133] masked %and3A_132 : memref<32x2048xf32, #tpu.memory_space<vmem>>[vector<16xi32>, vector<16xi32>], vector<16xf32>, vector<16xi1>
          %add3A_341 = arith.constant 29 : i32
          %add3A_342 = vector.broadcast %add3A_341 : i32 to vector<16xi32>
          %add3A_343 = arith.addi %mul3A_91, %add3A_342 : vector<16xi32>
          tpu.vector_store_idx %arg8[%add3A_86, %add3A_343], %gather3A_340 masked %and3A_132 : memref<256x128xf32, #tpu.memory_space<vmem>>[vector<16xi32>, vector<16xi32>], vector<16xf32>, vector<16xi1>
          %add3A_344 = arith.constant 30 : i32
          %add3A_345 = vector.broadcast %add3A_344 : i32 to vector<16xi32>
          %add3A_346 = arith.addi %broadcast_in_dim3A_3, %add3A_345 : vector<16xi32>
          %gather3A_347 = tpu.vector_load_idx %arg7[%add3A_346, %sub3A_133] masked %and3A_132 : memref<32x2048xf32, #tpu.memory_space<vmem>>[vector<16xi32>, vector<16xi32>], vector<16xf32>, vector<16xi1>
          %add3A_348 = arith.constant 30 : i32
          %add3A_349 = vector.broadcast %add3A_348 : i32 to vector<16xi32>
          %add3A_350 = arith.addi %mul3A_91, %add3A_349 : vector<16xi32>
          tpu.vector_store_idx %arg8[%add3A_86, %add3A_350], %gather3A_347 masked %and3A_132 : memref<256x128xf32, #tpu.memory_space<vmem>>[vector<16xi32>, vector<16xi32>], vector<16xf32>, vector<16xi1>
          %add3A_351 = arith.constant 31 : i32
          %add3A_352 = vector.broadcast %add3A_351 : i32 to vector<16xi32>
          %add3A_353 = arith.addi %broadcast_in_dim3A_3, %add3A_352 : vector<16xi32>
          %gather3A_354 = tpu.vector_load_idx %arg7[%add3A_353, %sub3A_133] masked %and3A_132 : memref<32x2048xf32, #tpu.memory_space<vmem>>[vector<16xi32>, vector<16xi32>], vector<16xf32>, vector<16xi1>
          %add3A_355 = arith.constant 31 : i32
          %add3A_356 = vector.broadcast %add3A_355 : i32 to vector<16xi32>
          %add3A_357 = arith.addi %mul3A_91, %add3A_356 : vector<16xi32>
          tpu.vector_store_idx %arg8[%add3A_86, %add3A_357], %gather3A_354 masked %and3A_132 : memref<256x128xf32, #tpu.memory_space<vmem>>[vector<16xi32>, vector<16xi32>], vector<16xf32>, vector<16xi1>
          %not3A = arith.constant dense<true> : vector<16xi1>
          %not3A_358 = arith.xori %and3A_132, %not3A : vector<16xi1>
          %and3A_359 = arith.andi %while3A_94, %not3A_358 : vector<16xi1>
          %select_n3A_360 = arith.select %or3A_109, %div3A_73, %while3A_96 : i32
          scf.yield %and3A_359, %select_n3A_113, %select_n3A_360 : vector<16xi1>, i32, i32
        }
        scf.yield %while3A#1, %while3A#2 : i32, i32
      }
      %scan3A_45 = arith.constant 32 : i32
      %mul3A_46 = arith.constant 128 : i32
      %mul3A_47 = arith.muli %rem3A_37, %mul3A_46 : i32
      %mul3A_48 = arith.constant 3328 : i32
      %mul3A_49 = arith.muli %add3A, %mul3A_48 : i32
      %mul3A_50 = arith.constant 128 : i32
      %mul3A_51 = arith.muli %scan3A_34, %mul3A_50 : i32
      %add3A_52 = arith.addi %mul3A_49, %mul3A_51 : i32
      %dma_start3A = arith.constant 0 : i32
      %dma_start3A_53 = tpu.memref_slice %arg8[%mul3A_47, %dma_start3A] : memref<256x128xf32, #tpu.memory_space<vmem>> -> memref<128x128xf32, #tpu.memory_space<vmem>>
      %dma_start3A_54 = arith.constant 0 : i32
      %dma_start3A_55 = tpu.memref_slice %arg5[%add3A_52, %dma_start3A_54] : memref<106496x128xf32, #tpu.memory_space<hbm>> -> memref<128x128xf32, #tpu.memory_space<hbm>>
      %dma_start3A_56 = arith.constant 0 : i32
      %dma_start3A_57 = tpu.memref_slice %arg5[%add3A_52, %dma_start3A_56] : memref<106496x128xf32, #tpu.memory_space<hbm>> -> memref<128x128xf32, #tpu.memory_space<hbm>>
      %dma_start3A_58 = arith.constant 0 : i32
      %dma_start3A_59 = tpu.memref_slice %arg8[%mul3A_47, %dma_start3A_58] : memref<256x128xf32, #tpu.memory_space<vmem>> -> memref<128x128xf32, #tpu.memory_space<vmem>>
      tpu.enqueue_dma source(%dma_start3A_59 : memref<128x128xf32, #tpu.memory_space<vmem>>) target(%dma_start3A_57 : memref<128x128xf32, #tpu.memory_space<hbm>>) target_semaphore(%arg9 : memref<!tpu.dma_semaphore, #tpu.memory_space<semaphore_mem>>)
      scf.yield %scan3A_44#0, %scan3A_44#1 : i32, i32
    }
    %scan3A_10 = arith.constant 26 : i32
    %dma_wait3A = arith.constant 0 : i32
    %dma_wait3A_11 = arith.constant 0 : i32
    %dma_wait3A_12 = tpu.memref_slice %arg8[%dma_wait3A, %dma_wait3A_11] : memref<256x128xf32, #tpu.memory_space<vmem>> -> memref<128x128xf32, #tpu.memory_space<vmem>>
    %dma_wait3A_13 = arith.constant 0 : i32
    %dma_wait3A_14 = arith.constant 0 : i32
    %dma_wait3A_15 = tpu.memref_slice %arg5[%dma_wait3A_13, %dma_wait3A_14] : memref<106496x128xf32, #tpu.memory_space<hbm>> -> memref<128x128xf32, #tpu.memory_space<hbm>>
    %dma_wait3A_16 = arith.constant 0 : i32
    %dma_wait3A_17 = arith.constant 0 : i32
    %dma_wait3A_18 = tpu.memref_slice %arg8[%dma_wait3A_16, %dma_wait3A_17] : memref<256x128xf32, #tpu.memory_space<vmem>> -> memref<128x128xf32, #tpu.memory_space<vmem>>
    %dma_wait3A_19 = arith.constant 0 : i32
    %dma_wait3A_20 = arith.constant 0 : i32
    %dma_wait3A_21 = tpu.memref_slice %arg5[%dma_wait3A_19, %dma_wait3A_20] : memref<106496x128xf32, #tpu.memory_space<hbm>> -> memref<128x128xf32, #tpu.memory_space<hbm>>
    tpu.wait_dma2 semaphore(%arg9 : memref<!tpu.dma_semaphore, #tpu.memory_space<semaphore_mem>>) src(%dma_wait3A_21 : memref<128x128xf32, #tpu.memory_space<hbm>>) dst(%dma_wait3A_18 : memref<128x128xf32, #tpu.memory_space<vmem>>)
    %dma_wait3A_22 = arith.constant 0 : i32
    %dma_wait3A_23 = arith.constant 0 : i32
    %dma_wait3A_24 = tpu.memref_slice %arg8[%dma_wait3A_22, %dma_wait3A_23] : memref<256x128xf32, #tpu.memory_space<vmem>> -> memref<128x128xf32, #tpu.memory_space<vmem>>
    %dma_wait3A_25 = arith.constant 0 : i32
    %dma_wait3A_26 = arith.constant 0 : i32
    %dma_wait3A_27 = tpu.memref_slice %arg5[%dma_wait3A_25, %dma_wait3A_26] : memref<106496x128xf32, #tpu.memory_space<hbm>> -> memref<128x128xf32, #tpu.memory_space<hbm>>
    %dma_wait3A_28 = arith.constant 0 : i32
    %dma_wait3A_29 = arith.constant 0 : i32
    %dma_wait3A_30 = tpu.memref_slice %arg8[%dma_wait3A_28, %dma_wait3A_29] : memref<256x128xf32, #tpu.memory_space<vmem>> -> memref<128x128xf32, #tpu.memory_space<vmem>>
    %dma_wait3A_31 = arith.constant 0 : i32
    %dma_wait3A_32 = arith.constant 0 : i32
    %dma_wait3A_33 = tpu.memref_slice %arg5[%dma_wait3A_31, %dma_wait3A_32] : memref<106496x128xf32, #tpu.memory_space<hbm>> -> memref<128x128xf32, #tpu.memory_space<hbm>>
    tpu.wait_dma2 semaphore(%arg9 : memref<!tpu.dma_semaphore, #tpu.memory_space<semaphore_mem>>) src(%dma_wait3A_33 : memref<128x128xf32, #tpu.memory_space<hbm>>) dst(%dma_wait3A_30 : memref<128x128xf32, #tpu.memory_space<vmem>>)
    return
  }
}

</mosaic_0001>

<sc_bundles>
// kernel: kernel.4.cloned.1.call-start
scs
__scs_entry_jumppad:
0x0: {  	(pc) =	sbr.rel $0x88, $3  }
0x1: {  	(tag) =	ssettag $0x0;
	lr =	simm.s32 $0x1  }
0x2: {  	[smem:$0x3F9F] =	sst lr;
	_ =	strace $0xD0000000  }
0x3: {  	_ = 	snop  }
0x4: {  	_ = 	snop  }
0x5: {  	_ = 	snop  }
0x6: {  	_ = 	snop  }
0x7: {  	_ = 	snop  }
__scs_overlays_trampoline_lowered:
0x8: {  	[smem:$0x3FAE] =	sst s0  }
0x9: {  	[smem:$0x3FAF] =	sst s1  }
0xa: {  	[smem:$0x3FB0] =	sst s2  }
0xb: {  	[smem:$0x3FB1] =	sst s3  }
0xc: {  	[smem:$0x3FB2] =	sst s4  }
0xd: {  	[smem:$0x3FB3] =	sst s5  }
0xe: {  	[smem:$0x3FB4] =	sst s6  }
0xf: {  	[smem:$0x3FB5] =	sst s7  }
0x10: {  	[smem:$0x3FB6] =	sst s8  }
0x11: {  	[smem:$0x3FB7] =	sst s9;
	s0 =	simm.s32 @!p0 $0x0  }
0x12: {  	s1 =	sld [smem:$0x3F9D];
	s0 =	simm.s32 @p0 $0x1  }
0x13: {  	[smem:$0x3FB8] =	sst s0;
	s0 =	simm.s32 @!p1 $0x0  }
0x14: {  	s2 =	sld [smem:$0x3F9C];
	s0 =	simm.s32 @p1 $0x1  }
0x15: {  	[smem:$0x3FB9] =	sst s0;
	s0 =	simm.s32 @!p2 $0x0  }
0x16: {  	s3 =	sld [smem:$0x3FDB];
	s0 =	simm.s32 @p2 $0x1  }
0x17: {  	s4 =	simm.s32 $0x1BF5;
	[smem:$0x3FBB] =	sst s0  }
0x18: {  	s0 =	sld [smem:$0x3F9E];
	_ =	swait.ge [sflag:s4], $0x0  }
0x19: {  	s7 =	sld [smem:$0x3F9F]  }
0x1a: {  	s8 =	sadd.s32 $0xFFFFE003, lr  }
0x1b: {  	s9 =	sadd.s32 $0xFFFFFEF7, lr;
	s5 =	simm.s32 $0xFFFFFFFF;
	p2 =	slt.u32 s8, $0xFFFFF086  }
0x1c: {  	p1 =	slt.u32 s9, $0xF7A;
	s5 =	simm.s32 @!p2 $0x0  }
0x1d: {  	s5 =	simm.s32 @p1 $0x1;
	p0 =	seq.s32 s7, s2  }
0x1e: {  	s7 =	smul.u32 @!p0 $0xF7A, s2;
	p2 =	seq.s32 @!p0 s5, $0x0  }
0x1f: {  	s9 =	smul.u32 $0xF7A, s1;
	s8 =	simm.s32 @!p0 $0x1BF5;
	p2 =	por !p2, p0  }
0x20: {  	[sflag:s8] =	ssyncset.s32 @!p0 $0xFFFFF086;
	s6 =	sadd.s32 @!p0 s3, s7;
	s7 =	simm.s32 @!p0 $0x108  }
0x21: {  	s3 =	sadd.s32 s3, s9;
	s6 =	sadd.s32 @!p0 $0x88, s6;
	s7 =	simm.s32 @p2 $0x1082  }
0x22: {  	[simem:s7], [sflag:s8] =	dma.local @!p0 [hbm:s6], $0xF7A  }
0x23: {  	s9 =	sor.u32 $0xD0000000, s2;
	s6 =	simm.s32 $0x108;
	_ =	swait.ge @!p0 [sflag:s8], $0x0  }
0x24: {  	s3 =	sadd.s32 $0x88, s3;
	s6 =	simm.s32 @!p1 $0x1082;
	[sflag:s4] =	ssyncset.s32 $0xFFFFF086  }
0x25: {  	[simem:s6], [sflag:s4] =	dma.local [hbm:s3], $0xF7A  }
0x26: {  	[smem:$0x3F9F] =	sst s1;
	(tag) =	ssettag s2;
	_ =	strace s9  }
0x27: {  	s1 =	sld [smem:$0x3FAF]  }
0x28: {  	s2 =	sld [smem:$0x3FB0]  }
0x29: {  	s4 =	sld [smem:$0x3FB2]  }
0x2a: {  	p0 =	seq.s32 s5, $0x0;
	s5 =	sld [smem:$0x3FB3]  }
0x2b: {  	s6 =	sld [smem:$0x3FB4]  }
0x2c: {  	s7 =	sld [smem:$0x3FB5]  }
0x2d: {  	s3 =	simm.s32 $0x108;
	s8 =	sld [smem:$0x3FB6]  }
0x2e: {  	s3 =	simm.s32 @!p0 $0x1082;
	s9 =	sld [smem:$0x3FB7]  }
0x2f: {  	lr =	sadd.s32 s0, s3;
	s0 =	sld [smem:$0x3FAE]  }
0x30: {  	s3 =	sld [smem:$0x3FB1]  }
0x31: {  	[smem:$0x3FBA] =	sst s10  }
0x32: {  	s10 =	sld [smem:$0x3FB8];
	_ =	sdelay $0x3  }
0x33: {  	p0 =	seq.s32 s10, $0x1;
	s10 =	sld [smem:$0x3FBA];
	_ =	sdelay $0x3  }
0x34: {  	[smem:$0x3FBA] =	sst s10  }
0x35: {  	s10 =	sld [smem:$0x3FB9];
	_ =	sdelay $0x3  }
0x36: {  	p1 =	seq.s32 s10, $0x1;
	s10 =	sld [smem:$0x3FBA];
	_ =	sdelay $0x3  }
0x37: {  	[smem:$0x3FBA] =	sst s10  }
0x38: {  	s10 =	sld [smem:$0x3FBB]  }
0x39: {  	_ = 	snop;
	(pc) =	sbr.ind lr, $3  }
0x3a: {  	_ = 	snop  }
0x3b: {  	_ = 	snop  }
0x3c: {  	p2 =	seq.s32 s10, $0x1;
	s10 =	sld [smem:$0x3FBA]  }
0x3d: {  	_ =	shalt  }
0x3e: {  	_ =	shalt  }
0x3f: {  	_ =	shalt  }
0x40: {  	_ =	shalt  }
0x41: {  	_ =	shalt  }
0x42: {  	_ =	shalt  }
0x43: {  	_ =	shalt  }
0x44: {  	_ =	shalt  }
0x45: {  	_ =	shalt  }
0x46: {  	_ =	shalt  }
0x47: {  	_ =	shalt  }
0x48: {  	_ =	shalt  }
0x49: {  	_ =	shalt  }
0x4a: {  	_ =	shalt  }
0x4b: {  	_ =	shalt  }
0x4c: {  	_ =	shalt  }
0x4d: {  	_ =	shalt  }
0x4e: {  	_ =	shalt  }
0x4f: {  	_ =	shalt  }
0x50: {  	_ =	shalt  }
0x51: {  	_ =	shalt  }
0x52: {  	_ =	shalt  }
0x53: {  	_ =	shalt  }
0x54: {  	_ =	shalt  }
0x55: {  	_ =	shalt  }
0x56: {  	_ =	shalt  }
0x57: {  	_ =	shalt  }
0x58: {  	_ =	shalt  }
0x59: {  	_ =	shalt  }
0x5a: {  	_ =	shalt  }
0x5b: {  	_ =	shalt  }
0x5c: {  	_ =	shalt  }
0x5d: {  	_ =	shalt  }
0x5e: {  	_ =	shalt  }
0x5f: {  	_ =	shalt  }
0x60: {  	_ =	shalt  }
0x61: {  	_ =	shalt  }
0x62: {  	_ =	shalt  }
0x63: {  	_ =	shalt  }
0x64: {  	_ =	shalt  }
0x65: {  	_ =	shalt  }
0x66: {  	_ =	shalt  }
0x67: {  	_ =	shalt  }
0x68: {  	_ =	shalt  }
0x69: {  	_ =	shalt  }
0x6a: {  	_ =	shalt  }
0x6b: {  	_ =	shalt  }
0x6c: {  	_ =	shalt  }
0x6d: {  	_ =	shalt  }
0x6e: {  	_ =	shalt  }
0x6f: {  	_ =	shalt  }
0x70: {  	_ =	shalt  }
0x71: {  	_ =	shalt  }
0x72: {  	_ =	shalt  }
0x73: {  	_ =	shalt  }
0x74: {  	_ =	shalt  }
0x75: {  	_ =	shalt  }
0x76: {  	_ =	shalt  }
0x77: {  	_ =	shalt  }
0x78: {  	_ =	shalt  }
0x79: {  	_ =	shalt  }
0x7a: {  	_ =	shalt  }
0x7b: {  	_ =	shalt  }
0x7c: {  	_ =	shalt  }
0x7d: {  	_ =	shalt  }
0x7e: {  	_ =	shalt  }
0x7f: {  	_ =	shalt  }
0x80: {  	_ =	shalt  }
0x81: {  	_ =	shalt  }
0x82: {  	_ =	shalt  }
0x83: {  	_ =	shalt  }
0x84: {  	_ =	shalt  }
0x85: {  	_ =	shalt  }
0x86: {  	_ =	shalt  }
0x87: {  	_ =	shalt  }
.Lfunc_end0:
.L_simem_size_0:
called_computation.1_lowered:
.L_overlay_start_0:
0x88: {  	s2 =	sld [smem:$0x3FD9]  }
0x89: {  	s3 =	sld [smem:$0x3FFE];
	_ =	sdelay $0x1  }
0x8a: {  	s1 =	srdreg.scid  }
0x8b: {  	s0 =	sand.u32 $0x1, s1  }
0x8c: {  	s17 =	sshll.u32 s0, $0xA;
	s2 =	sadd.s32 s3, s2  }
0x8d: {  	s2 =	sadd.s32 s2, s17  }
0x8e: {  	[smem:$0x3FC6] =	sst s2  }
0x8f: {  	_ = 	snop  }
0x90: {  	s2 =	sld [smem:$0x3FC8]  }
0x91: {  	s18 =	sld [smem:$0x3FD0];
	(tm) =	ssettm $0x1  }
0x92: {  	s4 =	sld [smem:$0x3FFB];
	_ =	sdelay $0x3  }
0x93: {  	_ =	strace s4  }
0x94: {  	s4 =	sld [smem:$0x3FFC];
	_ =	sdelay $0x3  }
0x95: {  	_ =	strace s4  }
0x96: {  	s4 =	sld [smem:$0x3FFD];
	_ =	sdelay $0x3  }
0x97: {  	_ =	strace s4  }
0x98: {  	_ =	strace $0x8FFFFFFF  }
0x99: {  	s19 =	sld [smem:$0x3FDB];
	_ =	sdelay $0x1  }
0x9a: {  	s5 =	simm.s32 $_scs_section_size  }
0x9b: {  	s6 =	simm.s32 $_size__tile_overlayer_lowered;
	s7 =	simm.s32 $_tile_overlayer_lowered  }
0x9c: {  	s22 =	simm.s32 $0x1BFF;
	s21 =	sshll.u32 s7, $0x1;
	s4 =	sadd.s32 s5, s19  }
0x9d: {  	s8 =	simm.s32 $0x0;
	s20 =	sshll.u32 s6, $0x1;
	s6 =	sadd.s32 s21, s4  }
0x9e: {  	[timem:s8], [sflag:s22] =	dma.local [hbm:s6], s20  }
0x9f: {  	_ =	swait.ge [sflag:s22], s20  }
0xa0: {  	s5 =	ssub.s32 $0x0, s20;
	[sflag:s22] =	ssyncset.done $0x0  }
0xa1: {  	[sflag:s22] =	ssyncadd.s32 s5;
	_ =	sdelay $0x1  }
0xa2: {  	s23 =	simm.s32 $0x1B8B  }
0xa3: {  	_ =	swait.ge [sflag:s23], $0x1  }
0xa4: {  	[sflag:s23] =	ssyncset.done $0x0  }
0xa5: {  	s25 =	simm.s32 $0x1B8E;
	s24 =	sld [smem:$0x3FFE];
	[sflag:s23] =	ssyncadd.s32 $0xFFFFFFFF  }
0xa6: {  	s26 =	simm.s32 $execute0_lowered;
	[smem:$0x3FD2] =	sst s25  }
0xa7: {  	s6 =	sshll.u32 s26, $0x1;
	_ =	strace $0x80000046;
	[dreg:$0x1] =	wrdreg $0xFFFFFFFF  }
0xa8: {  	s28 =	simm.s32 $_size_execute0_lowered;
	s4 =	sadd.s32 s4, s6;
	[dreg:$0x0] =	wrdreg $0x0  }
0xa9: {  	s6 =	sshll.u32 s28, $0x1;
	[dreg:$0x2] =	wrdreg s4  }
0xaa: {  	[dreg:$0x3] =	wrdreg s6  }
0xab: {  	[dreg:$0x4] =	wrdreg $0xC0  }
0xac: {  	_ =	task [dreg:s8], $0x5FFFF  }
0xad: {  	[dreg:$0x1] =	wrdreg $0xFFFFFFFF  }
0xae: {  	[dreg:$0x0] =	wrdreg $0x60  }
0xaf: {  	[dreg:$0x2] =	wrdreg s2  }
0xb0: {  	[dreg:$0x3] =	wrdreg s18  }
0xb1: {  	[dreg:$0x4] =	wrdreg s24  }
0xb2: {  	[dreg:$0x5] =	wrdreg $0x9  }
0xb3: {  	_ =	task.clear_ibuf [dreg:s8], $0x6FFFF;
	_ =	strace $0x90000046  }
0xb4: {  	s29 =	simm.s32 $0x9;
	_ =	strace $0x80000048  }
0xb5: {  	_ =	swait.ge [sflag:s29], $0x1  }
0xb6: {  	[sflag:s29] =	ssyncadd.s32 $0xFFFFFFFF  }
0xb7: {  	_ =	strace $0x90000048  }
0xb8: {  	_ =	sfence  }
0xb9: {  	s30 =	sld [smem:$0x0];
	_ =	sdelay $0x2  }
0xba: {  	s31 =	sshll.u32 s1, $0xD;
	s1 =	sshrl.u32 s1, $0x2  }
0xbb: {  	s3 =	sand.u32 $0x4000, s31;
	s1 =	sadd.s32 s1, s30  }
0xbc: {  	s0 =	sor.u32 s3, s0;
	s1 =	sshll.u32 s1, $0x11  }
0xbd: {  	s0 =	sor.u32 s1, s0  }
0xbe: {  	s0 =	sadd.s32 $0x8F2B, s0  }
0xbf: {  	[sflag:s0] =	ssyncadd.remote.s32 $0x1  }
0xc0: {  	_ =	sfence.sel $0xFFFF  }
0xc1: {  	[dreg:$0x0] =	wrdreg $0xFFFFFFFF;
	(pc) =	sbr.abs _section_cstart, $3  }
0xc2: {  	[dreg:$0x1] =	wrdreg $0xFFFFFFFF  }
0xc3: {  	_ =	task.clear_ibuf [dreg:s8], $0x2FFFF;
	_ =	strace $0x9FFFFFFF  }
0xc4: {  	(tm) =	ssettm $0x7FFFFFFF  }
0xc5: {  	_ =	shalt  }
tec
execute0_lowered:
.L_overlay_start_1:
0x0: {  	(tag) =	ssettag $0x1  }
0x1: {  	s1 =	rddreg [dreg:$0x0]  }
0x2: {  	s2 =	rddreg [dreg:$0x1]  }
0x3: {  	s7 =	rddreg [dreg:$0x2];
	s3 =	simm.s32 $0x0  }
0x4: {  	[smem:$0x7FF] =	sst s3  }
0x5: {  	s0 =	rddreg [dreg:$0x3];
	v0 =	vimm.f32 $1.000000000e+00;
	_ =	strace $0x80000047  }
0x6: {  	(xrf0) =	vmax.scan.msk.f32 $0xffff, v0;
	_ =	sdelay $0x5  }
0x7: {  	v0, _, _ =	vpop (xrf0)  }
0x8: {  	(v2sf) =	vpush v0, $0xF;
	_ =	sdelay $0x1  }
0x9: {  	v56 =	vlaneseq.u32  }
0xa: {  	v0 =	vand.u32 $0x3, v56  }
0xb: {  	v0 =	vmul.u32 $0x20, v0;
	_ =	sdelay $0x1  }
0xc: {  	vm0 =	vmmov $0xffff;
	v33 =	vimm.f32 $0.0e+00;
	v1 =	vor.u32 $0x1, v0  }
0xd: {  	v57 =	vor.u32 $0x2, v0;
	v58 =	vor.u32 $0x3, v0;
	v59 =	vor.u32 $0x4, v0  }
0xe: {  	v60 =	vor.u32 $0x5, v0;
	v61 =	vor.u32 $0x6, v0;
	v62 =	vor.u32 $0x7, v0  }
0xf: {  	s5 =	srdreg.scid;
	v63 =	vor.u32 $0x8, v0;
	v10 =	vor.u32 $0x9, v0;
	v11 =	vor.u32 $0xA, v0;
	[tilespmem:$0x1FF80] =	vst v1  }
0x10: {  	s4 =	stileid.u32;
	s12 =	simm.s32 $0x13400;
	s13 =	simm.s32 $0x1;
	v12 =	vor.u32 $0xB, v0;
	v13 =	vor.u32 $0xC, v0;
	v14 =	vor.u32 $0xD, v0;
	[tilespmem:$0x1FF90] =	vst v57  }
0x11: {  	s14 =	simm.s32 $0x0;
	s6 =	sand.u32 $0x1, s5;
	s30 =	sshll.u32 s4, $0x1;
	v15 =	vor.u32 $0xE, v0;
	v16 =	vor.u32 $0xF, v0;
	v17 =	vor.u32 $0x10, v0;
	[tilespmem:$0x1FFA0] =	vst v58  }
.Ltmp0:
0x12: {  	s8 =	sor.u32 s6, s30;
	s9 =	ssub.s32 $0x2, s6;
	v18 =	vor.u32 $0x11, v0;
	v19 =	vor.u32 $0x12, v0;
	v20 =	vor.u32 $0x13, v0;
	[tilespmem:$0x1FFB0] =	vst v59;
	(pc) =	sbr.rel .LBB2_1-.Ltmp0, $4  }
0x13: {  	s6 =	sadd.s32 $0xD000, s7;
	s5 =	smul.u32 $0x3400, s8;
	s10 =	sshrl.u32 s9, $0x1;
	v21 =	vor.u32 $0x14, v0;
	v22 =	vor.u32 $0x15, v0;
	v23 =	vor.u32 $0x16, v0;
	[tilespmem:$0x1FFC0] =	vst v60  }
0x14: {  	s8 =	smul.u32 $0x68000, s8;
	s9 =	ssub.s32 s9, s10;
	s10 =	simm.s32 $0x2;
	v24 =	vor.u32 $0x17, v0;
	v25 =	vor.u32 $0x18, v0;
	v26 =	vor.u32 $0x19, v0;
	[tilespmem:$0x1FFD0] =	vst v61  }
0x15: {  	s11 =	sshrl.u32 s5, $0x3;
	s9 =	smax.u32 s9, $0x1;
	v27 =	vor.u32 $0x1A, v0;
	v28 =	vor.u32 $0x1B, v0;
	v29 =	vor.u32 $0x1C, v0;
	[tilespmem:$0x1FFE0] =	vst v62;
	s31 =	spop (v2sf)  }
0x16: {  	s7 =	sadd.s32 s7, s11;
	s11 =	simm.s32 $0x3400;
	v30 =	vor.u32 $0x1D, v0;
	v31 =	vor.u32 $0x1E, v0;
	v9 =	vmovc v0;
	v32 =	vor.u32 $0x1F, v0;
	[tilespmem:$0x1FFF0] =	vst v63;
	p0 =	sgt.f32 s31, $0.0e+00  }
.LBB2_8:
0x17: {  	s14 =	sadd.s32 $0x1, s14  }
0x18: {  	_ =	swait.ge [sflag:s13], $0x4000;
	p1 =	sne.s32 s14, s9  }
.Ltmp1:
0x19: {  	[sflag:s13] =	ssyncset.done $0x0;
	(pc) =	sbr.rel @!p1 .LBB2_9-.Ltmp1, $4  }
0x1a: {  	[sflag:s13] =	ssyncadd.s32 $0xFFFFC000  }
0x1b: {  	_ =	swait.ge [sflag:s13], $0x4000  }
0x1c: {  	[sflag:s13] =	ssyncset.done $0x0  }
0x1d: {  	[sflag:s13] =	ssyncadd.s32 $0xFFFFC000  }
.LBB2_1:
.Ltmp2:
0x1e: {  	(pc) =	sbr.rel .LBB2_2-.Ltmp2, $4  }
0x1f: {  	[tilespmem:s3], [sflag:$0x2] =	stream.linear.gather [hbm4b:s7+s3], $0x3400, $0x38;
	[tilespmem:$0x1B400] =	vst v63  }
0x20: {  	_ =	swait.ge [sflag:s10], $0x3400  }
0x21: {  	s15 =	simm.s32 $0xFFFFFFFF;
	[sflag:s10] =	ssyncset.done $0x0  }
0x22: {  	s16 =	simm.s32 $0x0;
	s17 =	simm.s32 $0x0;
	[sflag:s10] =	ssyncadd.s32 $0xFFFFCC00  }
.LBB2_7:
0x23: {  	s19 =	sshll.u32 s17, $0xE;
	s17 =	sadd.s32 $0x1, s17  }
0x24: {  	p1 =	sne.s32 s17, $0x1A  }
.Ltmp3:
0x25: {  	_ = 	snop;
	(pc) =	sbr.rel @!p1 .LBB2_8-.Ltmp3, $4  }
0x26: {  	s19 =	sadd.s32 s8, s19  }
0x27: {  	s18 =	sshll.u32 s18, $0xE;
	s19 =	sshrl.u32 s19, $0x3  }
0x28: {  	s18 =	sor.u32 $0x13400, s18;
	s19 =	sadd.s32 s6, s19  }
0x29: {  	[hbm4b:s19+s3] =	stream.linear.scatter [tilespmem:s18], [sflag:$0x1], $0x4000, $0x38;
	[tilespmem:$0x1B400] =	vst v63  }
.LBB2_2:
.Ltmp4:
0x2a: {  	p1 =	slt.u32 s17, $0x2;
	(pc) =	sbr.rel .LBB2_3-.Ltmp4, $4  }
0x2b: {  	s19 =	simm.s32 @!p1 $0x1  }
0x2c: {  	s18 =	sand.u32 $0x1, s17;
	_ =	swait.ge @!p1 [sflag:s19], $0x4000  }
0x2d: {  	s20 =	sshll.u32 s18, $0x7;
	[sflag:s19] =	ssyncset.done @!p1 $0x0  }
0x2e: {  	v34 =	vmov s20;
	s20 =	simm.s32 $0x0;
	[sflag:s19] =	ssyncadd.s32 @!p1 $0xFFFFC000;
	s19 =	sshll.u32 s17, $0x9  }
.LBB2_6:
0x2f: {  	s20 =	sadd.s32 $0x1, s20  }
0x30: {  	p1 =	sne.s32 s20, $0x20  }
.Ltmp5:
0x31: {  	_ = 	snop;
	(pc) =	sbr.rel @!p1 .LBB2_7-.Ltmp5, $1  }
0x32: {  	_ =	sdelay $0x3  }
.LBB2_3:
.Ltmp6:
0x33: {  	(pc) =	sbr.rel @!p0 .LBB2_6-.Ltmp6, $1  }
0x34: {  	_ =	sdelay $0x3  }
0x35: {  	s21 =	sshll.u32 s20, $0x4  }
0x36: {  	v1 =	vlaneseq.u32;
	s22 =	sadd.s32 s19, s21  }
0x37: {  	v0 =	vor.u32 s22, v1;
	_ =	sdelay $0x4  }
0x38: {  	v0 =	vld.idx.msk [tilespmem:v0+s3+$0x0], $0xffff;
	_ =	sdelay $0x4  }
0x39: {  	v35 =	vshrl.u32 v0, $0xE;
	v0 =	vld [tilespmem:$0x1FF80]  }
0x3a: {  	v1 =	vor.u32 s21, v1  }
0x3b: {  	v1 =	vshrl.u32 v1, $0x2  }
0x3c: {  	v1 =	vor.u32 v34, v1  }
0x3d: {  	v4 =	vshll.u32 v1, $0x7  }
0x3e: {  	v38 =	vor.u32 v0, v4;
	v0 =	vld [tilespmem:$0x1FF90];
	_ =	sdelay $0x4  }
0x3f: {  	v39 =	vor.u32 v0, v4;
	v0 =	vld [tilespmem:$0x1FFA0];
	_ =	sdelay $0x4  }
0x40: {  	v40 =	vor.u32 v0, v4;
	v0 =	vld [tilespmem:$0x1FFB0];
	_ =	sdelay $0x4  }
0x41: {  	v41 =	vor.u32 v0, v4;
	v0 =	vld [tilespmem:$0x1FFC0];
	_ =	sdelay $0x4  }
0x42: {  	v42 =	vor.u32 v0, v4;
	v0 =	vld [tilespmem:$0x1FFD0];
	_ =	sdelay $0x4  }
0x43: {  	v43 =	vor.u32 v0, v4;
	v0 =	vld [tilespmem:$0x1FFE0]  }
0x44: {  	vm1 =	vmmov vm0  }
0x45: {  	v37 =	vor.u32 v9, v4;
	v46 =	vor.u32 v10, v4;
	v47 =	vor.u32 v11, v4  }
0x46: {  	v48 =	vor.u32 v12, v4;
	v49 =	vor.u32 v13, v4;
	v50 =	vor.u32 v14, v4  }
0x47: {  	v51 =	vor.u32 v15, v4;
	v52 =	vor.u32 v16, v4;
	v53 =	vor.u32 v17, v4  }
0x48: {  	v54 =	vor.u32 v18, v4;
	v55 =	vor.u32 v19, v4;
	v44 =	vor.u32 v0, v4;
	v0 =	vld [tilespmem:$0x1FFF0]  }
0x49: {  	s31 =	sadd.s32 s5, s22;
	v56 =	vor.u32 v20, v4;
	v57 =	vor.u32 v21, v4;
	v58 =	vor.u32 v22, v4  }
0x4a: {  	s21 =	sshrl.u32 s31, $0xE;
	v59 =	vor.u32 v23, v4;
	v60 =	vor.u32 v24, v4;
	v61 =	vor.u32 v25, v4  }
0x4b: {  	s23 =	smul.u32 $0x1C00, s21;
	v62 =	vor.u32 v26, v4;
	v63 =	vor.u32 v27, v4;
	v1 =	vor.u32 v29, v4  }
0x4c: {  	v2 =	vor.u32 v30, v4;
	v3 =	vor.u32 v31, v4;
	v36 =	vor.u32 $0x80000000, v35  }
0x4d: {  	s22 =	smul.u32 $0x61C00, s21;
	s23 =	sadd.s32 s2, s23;
	v45 =	vor.u32 v0, v4;
	v0 =	vor.u32 v28, v4;
	v4 =	vor.u32 v32, v4  }
.LBB2_5:
0x4e: {  	v5 =	vnsel vm1, $0xA0000000, v36  }
0x4f: {  	(xrf0) =	vmin.scan.msk.u32 $0xffff, v5;
	_ =	sdelay $0x5  }
0x50: {  	v5, _, _ =	vpop (xrf0)  }
0x51: {  	(v2sf) =	vpush v5, $0xF;
	_ =	sdelay $0xe  }
0x52: {  	s24 =	spop (v2sf)  }
0x53: {  	s25 =	sadd.s32 $0x800, s16;
	s24 =	sxor.u32 $0x80000000, s24  }
0x54: {  	p1 =	sne.s32 s15, s21;
	p2 =	sge.s32 s24, s25  }
0x55: {  	p5 =	slt.s32 s24, s16;
	p1 =	por p1, p2  }
0x56: {  	s24 =	sand.u32 $0xFFFFF800, s24;
	p1 =	por p5, p1  }
0x57: {  	s16 =	smov.u32 @p1 s24  }
0x58: {  	p2 =	seq.s32 @p1 s16, $0x18000  }
0x59: {  	p3 =	por p2, !p1  }
0x5a: {  	s24 =	sadd.s32 @!p3 s22, s16  }
0x5b: {  	s25 =	simm.s32 @!p3 $0x4000;
	s24 =	sand.u32 @!p3 $0x1FFFFC00, s24  }
0x5c: {  	s26 =	simm.s32 @!p3 $0xC3800;
	s28 =	simm.s32 @!p3 $0x3400;
	s24 =	sadd.s32 @!p3 s1, s24  }
0x5d: {  	[tilespmem:s28], [sflag:$0x2] =	stream.strided.gather @!p3 [hbm4b:s24+s25], $0x10000, s26, s25, $0x38;
	[tilespmem:$0x1B400] =	vst v63  }
0x5e: {  	s24 =	simm.s32 @!p3 $0x2  }
0x5f: {  	p4 =	por !p1, !p1;
	p6 =	sne.s32 s16, $0x18000;
	_ =	swait.ge @!p3 [sflag:s24], $0x10000  }
0x60: {  	p2 =	por p4, p6;
	[sflag:s24] =	ssyncset.done @!p3 $0x0  }
0x61: {  	s25 =	simm.s32 @!p2 $0x3400;
	[sflag:s24] =	ssyncadd.s32 @!p3 $0xFFFF0000;
	s24 =	simm.s32 @!p2 $0x0  }
0x62: {  	[tilespmem:s25], [sflag:$0x2] =	stream.linear.gather @!p2 [hbm4b:s23+s24], $0x3800, $0x38;
	[tilespmem:$0x1B400] =	vst v63  }
0x63: {  	s30 =	sadd.s32 $0x800, s16;
	s26 =	simm.s32 @!p2 $0x7400;
	s25 =	sadd.s32 @!p2 $0x700, s23  }
0x64: {  	v5 =	vmov s16;
	[tilespmem:s26], [sflag:$0x2] =	stream.linear.gather @!p2 [hbm4b:s25+s24], $0x3800, $0x38;
	[tilespmem:$0x1B400] =	vst v63  }
0x65: {  	vm2 =	vge.s32 v35, s16;
	vm3 =	vlt.s32 v35, s30;
	v5 =	vsub.s32 v35, v5;
	s28 =	simm.s32 @!p2 $0xB400;
	s26 =	sadd.s32 @!p2 $0xE00, s23  }
0x66: {  	vm2 =	vmand vm2, vm3;
	v6 =	vshll.u32 v5, $0x3;
	[tilespmem:s28], [sflag:$0x2] =	stream.linear.gather @!p2 [hbm4b:s26+s24], $0x3800, $0x38;
	[tilespmem:$0x1B400] =	vst v63  }
0x67: {  	v5 =	vand.u32 $0x7F, v5;
	vm2 =	vmand vm1, vm2;
	v6 =	vand.u32 $0xFFFFFC00, v6;
	s25 =	sadd.s32 @!p2 $0x1500, s23;
	s26 =	simm.s32 @!p2 $0xF400  }
0x68: {  	v5 =	vor.u32 v5, v6;
	[tilespmem:s26], [sflag:$0x2] =	stream.linear.gather @!p2 [hbm4b:s25+s24], $0x3800, $0x38;
	[tilespmem:$0x1B400] =	vst v63  }
0x69: {  	s24 =	simm.s32 @!p2 $0x2  }
0x6a: {  	_ =	swait.ge @!p2 [sflag:s24], $0xE000  }
0x6b: {  	[sflag:s24] =	ssyncset.done @!p2 $0x0  }
0x6c: {  	[sflag:s24] =	ssyncadd.s32 @!p2 $0xFFFF2000  }
0x6d: {  	v6 =	vld.idx.msk [tilespmem:v5+s11+$0x0], vm2  }
0x6e: {  	v7 =	vor.u32 $0x80, v5;
	_ =	sdelay $0x3  }
0x6f: {  	[tilespmem:v37+s12+$0x0] =	vst.idx.msk vm2, v6  }
0x70: {  	v6 =	vld.idx.msk [tilespmem:v7+s11+$0x0], vm2  }
0x71: {  	v7 =	vor.u32 $0x100, v5;
	_ =	sdelay $0x3  }
0x72: {  	[tilespmem:v38+s12+$0x0] =	vst.idx.msk vm2, v6  }
0x73: {  	v6 =	vld.idx.msk [tilespmem:v7+s11+$0x0], vm2  }
0x74: {  	v7 =	vor.u32 $0x180, v5;
	_ =	sdelay $0x3  }
0x75: {  	[tilespmem:v39+s12+$0x0] =	vst.idx.msk vm2, v6  }
0x76: {  	v6 =	vld.idx.msk [tilespmem:v7+s11+$0x0], vm2  }
0x77: {  	v7 =	vor.u32 $0x200, v5;
	_ =	sdelay $0x3  }
0x78: {  	[tilespmem:v40+s12+$0x0] =	vst.idx.msk vm2, v6  }
0x79: {  	v6 =	vld.idx.msk [tilespmem:v7+s11+$0x0], vm2  }
0x7a: {  	v7 =	vor.u32 $0x280, v5;
	_ =	sdelay $0x3  }
0x7b: {  	[tilespmem:v41+s12+$0x0] =	vst.idx.msk vm2, v6  }
0x7c: {  	v6 =	vld.idx.msk [tilespmem:v7+s11+$0x0], vm2  }
0x7d: {  	v7 =	vor.u32 $0x300, v5;
	_ =	sdelay $0x3  }
0x7e: {  	[tilespmem:v42+s12+$0x0] =	vst.idx.msk vm2, v6  }
0x7f: {  	v6 =	vld.idx.msk [tilespmem:v7+s11+$0x0], vm2  }
0x80: {  	v7 =	vor.u32 $0x380, v5;
	_ =	sdelay $0x3  }
0x81: {  	[tilespmem:v43+s12+$0x0] =	vst.idx.msk vm2, v6  }
0x82: {  	v6 =	vld.idx.msk [tilespmem:v7+s11+$0x0], vm2  }
0x83: {  	v7 =	vadd.s32 $0x4000, v5;
	_ =	sdelay $0x3  }
0x84: {  	[tilespmem:v44+s12+$0x0] =	vst.idx.msk vm2, v6  }
0x85: {  	v6 =	vld.idx.msk [tilespmem:v7+s11+$0x0], vm2  }
0x86: {  	v7 =	vadd.s32 $0x4080, v5;
	_ =	sdelay $0x3  }
0x87: {  	[tilespmem:v45+s12+$0x0] =	vst.idx.msk vm2, v6  }
0x88: {  	v6 =	vld.idx.msk [tilespmem:v7+s11+$0x0], vm2  }
0x89: {  	v7 =	vadd.s32 $0x4100, v5;
	_ =	sdelay $0x3  }
0x8a: {  	[tilespmem:v46+s12+$0x0] =	vst.idx.msk vm2, v6  }
0x8b: {  	v6 =	vld.idx.msk [tilespmem:v7+s11+$0x0], vm2  }
0x8c: {  	v7 =	vadd.s32 $0x4180, v5;
	_ =	sdelay $0x3  }
0x8d: {  	[tilespmem:v47+s12+$0x0] =	vst.idx.msk vm2, v6  }
0x8e: {  	v6 =	vld.idx.msk [tilespmem:v7+s11+$0x0], vm2  }
0x8f: {  	v7 =	vadd.s32 $0x4200, v5;
	_ =	sdelay $0x3  }
0x90: {  	[tilespmem:v48+s12+$0x0] =	vst.idx.msk vm2, v6  }
0x91: {  	v6 =	vld.idx.msk [tilespmem:v7+s11+$0x0], vm2  }
0x92: {  	v7 =	vadd.s32 $0x4280, v5;
	_ =	sdelay $0x3  }
0x93: {  	[tilespmem:v49+s12+$0x0] =	vst.idx.msk vm2, v6  }
0x94: {  	v6 =	vld.idx.msk [tilespmem:v7+s11+$0x0], vm2  }
0x95: {  	v7 =	vadd.s32 $0x4300, v5;
	_ =	sdelay $0x3  }
0x96: {  	[tilespmem:v50+s12+$0x0] =	vst.idx.msk vm2, v6  }
0x97: {  	v6 =	vld.idx.msk [tilespmem:v7+s11+$0x0], vm2  }
0x98: {  	v7 =	vadd.s32 $0x4380, v5;
	_ =	sdelay $0x3  }
0x99: {  	[tilespmem:v51+s12+$0x0] =	vst.idx.msk vm2, v6  }
0x9a: {  	v6 =	vld.idx.msk [tilespmem:v7+s11+$0x0], vm2  }
0x9b: {  	v7 =	vadd.s32 $0x8000, v5;
	_ =	sdelay $0x3  }
0x9c: {  	[tilespmem:v52+s12+$0x0] =	vst.idx.msk vm2, v6  }
0x9d: {  	v6 =	vld.idx.msk [tilespmem:v7+s11+$0x0], vm2  }
0x9e: {  	v7 =	vadd.s32 $0x8080, v5;
	_ =	sdelay $0x3  }
0x9f: {  	[tilespmem:v53+s12+$0x0] =	vst.idx.msk vm2, v6  }
0xa0: {  	v6 =	vld.idx.msk [tilespmem:v7+s11+$0x0], vm2  }
0xa1: {  	v7 =	vadd.s32 $0x8100, v5;
	_ =	sdelay $0x3  }
0xa2: {  	[tilespmem:v54+s12+$0x0] =	vst.idx.msk vm2, v6  }
0xa3: {  	v6 =	vld.idx.msk [tilespmem:v7+s11+$0x0], vm2  }
0xa4: {  	v7 =	vadd.s32 $0x8180, v5;
	_ =	sdelay $0x3  }
0xa5: {  	[tilespmem:v55+s12+$0x0] =	vst.idx.msk vm2, v6  }
0xa6: {  	v6 =	vld.idx.msk [tilespmem:v7+s11+$0x0], vm2  }
0xa7: {  	v7 =	vadd.s32 $0x8200, v5;
	_ =	sdelay $0x3  }
0xa8: {  	[tilespmem:v56+s12+$0x0] =	vst.idx.msk vm2, v6  }
0xa9: {  	v6 =	vld.idx.msk [tilespmem:v7+s11+$0x0], vm2  }
0xaa: {  	v7 =	vadd.s32 $0x8280, v5;
	_ =	sdelay $0x3  }
0xab: {  	[tilespmem:v57+s12+$0x0] =	vst.idx.msk vm2, v6  }
0xac: {  	v6 =	vld.idx.msk [tilespmem:v7+s11+$0x0], vm2  }
0xad: {  	v7 =	vadd.s32 $0x8300, v5;
	_ =	sdelay $0x3  }
0xae: {  	[tilespmem:v58+s12+$0x0] =	vst.idx.msk vm2, v6  }
0xaf: {  	v6 =	vld.idx.msk [tilespmem:v7+s11+$0x0], vm2  }
0xb0: {  	v7 =	vadd.s32 $0x8380, v5;
	_ =	sdelay $0x3  }
0xb1: {  	[tilespmem:v59+s12+$0x0] =	vst.idx.msk vm2, v6  }
0xb2: {  	v6 =	vld.idx.msk [tilespmem:v7+s11+$0x0], vm2  }
0xb3: {  	v7 =	vadd.s32 $0xC000, v5;
	_ =	sdelay $0x3  }
0xb4: {  	[tilespmem:v60+s12+$0x0] =	vst.idx.msk vm2, v6  }
0xb5: {  	v6 =	vld.idx.msk [tilespmem:v7+s11+$0x0], vm2  }
0xb6: {  	v7 =	vadd.s32 $0xC080, v5;
	_ =	sdelay $0x3  }
0xb7: {  	[tilespmem:v61+s12+$0x0] =	vst.idx.msk vm2, v6  }
0xb8: {  	v6 =	vld.idx.msk [tilespmem:v7+s11+$0x0], vm2  }
0xb9: {  	v7 =	vadd.s32 $0xC100, v5;
	_ =	sdelay $0x3  }
0xba: {  	[tilespmem:v62+s12+$0x0] =	vst.idx.msk vm2, v6  }
0xbb: {  	v6 =	vld.idx.msk [tilespmem:v7+s11+$0x0], vm2  }
0xbc: {  	v7 =	vadd.s32 $0xC180, v5;
	_ =	sdelay $0x3  }
0xbd: {  	vm1 =	vmxor vm1, vm2;
	[tilespmem:v63+s12+$0x0] =	vst.idx.msk vm2, v6  }
0xbe: {  	v8 =	vsel vm1, $0x3F800000, v33;
	v6 =	vld.idx.msk [tilespmem:v7+s11+$0x0], vm2  }
0xbf: {  	(xrf0) =	vmax.scan.msk.f32 $0xffff, v8;
	v7 =	vadd.s32 $0xC200, v5;
	_ =	sdelay $0x3  }
0xc0: {  	[tilespmem:v0+s12+$0x0] =	vst.idx.msk vm2, v6  }
0xc1: {  	v6 =	vld.idx.msk [tilespmem:v7+s11+$0x0], vm2  }
0xc2: {  	v8, _, _ =	vpop (xrf0);
	v7 =	vadd.s32 $0xC280, v5  }
0xc3: {  	(v2sf) =	vpush v8, $0xF;
	_ =	sdelay $0x2  }
0xc4: {  	[tilespmem:v1+s12+$0x0] =	vst.idx.msk vm2, v6  }
0xc5: {  	v6 =	vld.idx.msk [tilespmem:v7+s11+$0x0], vm2  }
0xc6: {  	v7 =	vadd.s32 $0xC300, v5;
	_ =	sdelay $0x3  }
0xc7: {  	[tilespmem:v2+s12+$0x0] =	vst.idx.msk vm2, v6  }
0xc8: {  	v6 =	vld.idx.msk [tilespmem:v7+s11+$0x0], vm2  }
0xc9: {  	v5 =	vadd.s32 $0xC380, v5;
	_ =	sdelay $0x3  }
0xca: {  	s31 =	spop (v2sf);
	[tilespmem:v3+s12+$0x0] =	vst.idx.msk vm2, v6  }
0xcb: {  	p2 =	sgt.f32 s31, $0.0e+00;
	v5 =	vld.idx.msk [tilespmem:v5+s11+$0x0], vm2  }
.Ltmp7:
0xcc: {  	_ = 	snop;
	(pc) =	sbr.rel @p2 .LBB2_5-.Ltmp7, $2  }
0xcd: {  	_ =	sdelay $0x2  }
0xce: {  	s15 =	smov.u32 @p1 s21;
	[tilespmem:v4+s12+$0x0] =	vst.idx.msk vm2, v5  }
.Ltmp8:
0xcf: {  	_ = 	snop;
	(pc) =	sbr.rel .LBB2_6-.Ltmp8, $1  }
0xd0: {  	_ =	sdelay $0x3  }
.LBB2_9:
0xd1: {  	_ =	sfence.sel $0x180000  }
0xd2: {  	[bflag:$0x0] =	sbarrier.arrive $0xFFFF  }
0xd3: {  	p0 =	sne.s32 s4, $0x0;
	_ =	strace $0x90000047  }
0xd4: {  	s0 =	sadd.s32 @!p0 $0x100000, s0;
	[bflag:$0x2] =	sbarrier.arrive $0xFFFF  }
0xd5: {  	[sflag:s0] =	ssyncadd.tile.s32 @!p0 $0x1;
	_ =	shalt  }
.Lfunc_end2:
_tile_overlayer_lowered:
.L_overlay_start_2:
0xd6: {  	(tag) =	ssettag $0x2  }
0xd7: {  	s0 =	rddreg [dreg:$0x0];
	s2 =	stileid.u32  }
0xd8: {  	s1 =	rddreg [dreg:$0x1];
	p0 =	sne.s32 s2, $0x0  }
0xd9: {  	s3 =	rddreg [dreg:$0x2];
	[bflag:$0x3] =	sbarrier.arrive $0xFFFF;
	s2 =	simm.s32 @!p0 $0x1C02  }
0xda: {  	[timem:s3], [sflag:s2] =	dma.local @!p0 [hbm:s0], s1  }
0xdb: {  	s0 =	simm.s32 @!p0 $0x2  }
0xdc: {  	_ =	swait.ge @!p0 [sflag:s0], s1  }
0xdd: {  	s1 =	ssub.s32 @!p0 $0x0, s1;
	[sflag:s0] =	ssyncset.done @!p0 $0x0  }
0xde: {  	[sflag:s0] =	ssyncadd.s32 @!p0 s1  }
0xdf: {  	[bflag:$0x3] =	sbarrier.arrive $0xFFFF  }
0xe0: {  	_ =	shalt  }

// kernel: kernel.7.cloned.1.call-start
scs
__scs_entry_jumppad:
0x0: {  	(pc) =	sbr.rel $0x88, $3  }
0x1: {  	(tag) =	ssettag $0x0;
	lr =	simm.s32 $0x1  }
0x2: {  	[smem:$0x3F9F] =	sst lr;
	_ =	strace $0xD0000000  }
0x3: {  	_ = 	snop  }
0x4: {  	_ = 	snop  }
0x5: {  	_ = 	snop  }
0x6: {  	_ = 	snop  }
0x7: {  	_ = 	snop  }
__scs_overlays_trampoline_lowered:
0x8: {  	[smem:$0x3FAE] =	sst s0  }
0x9: {  	[smem:$0x3FAF] =	sst s1  }
0xa: {  	[smem:$0x3FB0] =	sst s2  }
0xb: {  	[smem:$0x3FB1] =	sst s3  }
0xc: {  	[smem:$0x3FB2] =	sst s4  }
0xd: {  	[smem:$0x3FB3] =	sst s5  }
0xe: {  	[smem:$0x3FB4] =	sst s6  }
0xf: {  	[smem:$0x3FB5] =	sst s7  }
0x10: {  	[smem:$0x3FB6] =	sst s8  }
0x11: {  	[smem:$0x3FB7] =	sst s9;
	s0 =	simm.s32 @!p0 $0x0  }
0x12: {  	s1 =	sld [smem:$0x3F9D];
	s0 =	simm.s32 @p0 $0x1  }
0x13: {  	[smem:$0x3FB8] =	sst s0;
	s0 =	simm.s32 @!p1 $0x0  }
0x14: {  	s2 =	sld [smem:$0x3F9C];
	s0 =	simm.s32 @p1 $0x1  }
0x15: {  	[smem:$0x3FB9] =	sst s0;
	s0 =	simm.s32 @!p2 $0x0  }
0x16: {  	s3 =	sld [smem:$0x3FDB];
	s0 =	simm.s32 @p2 $0x1  }
0x17: {  	s4 =	simm.s32 $0x1BF5;
	[smem:$0x3FBB] =	sst s0  }
0x18: {  	s0 =	sld [smem:$0x3F9E];
	_ =	swait.ge [sflag:s4], $0x0  }
0x19: {  	s7 =	sld [smem:$0x3F9F]  }
0x1a: {  	s8 =	sadd.s32 $0xFFFFE003, lr  }
0x1b: {  	s9 =	sadd.s32 $0xFFFFFEF7, lr;
	s5 =	simm.s32 $0xFFFFFFFF;
	p2 =	slt.u32 s8, $0xFFFFF086  }
0x1c: {  	p1 =	slt.u32 s9, $0xF7A;
	s5 =	simm.s32 @!p2 $0x0  }
0x1d: {  	s5 =	simm.s32 @p1 $0x1;
	p0 =	seq.s32 s7, s2  }
0x1e: {  	s7 =	smul.u32 @!p0 $0xF7A, s2;
	p2 =	seq.s32 @!p0 s5, $0x0  }
0x1f: {  	s9 =	smul.u32 $0xF7A, s1;
	s8 =	simm.s32 @!p0 $0x1BF5;
	p2 =	por !p2, p0  }
0x20: {  	[sflag:s8] =	ssyncset.s32 @!p0 $0xFFFFF086;
	s6 =	sadd.s32 @!p0 s3, s7;
	s7 =	simm.s32 @!p0 $0x108  }
0x21: {  	s3 =	sadd.s32 s3, s9;
	s6 =	sadd.s32 @!p0 $0x88, s6;
	s7 =	simm.s32 @p2 $0x1082  }
0x22: {  	[simem:s7], [sflag:s8] =	dma.local @!p0 [hbm:s6], $0xF7A  }
0x23: {  	s9 =	sor.u32 $0xD0000000, s2;
	s6 =	simm.s32 $0x108;
	_ =	swait.ge @!p0 [sflag:s8], $0x0  }
0x24: {  	s3 =	sadd.s32 $0x88, s3;
	s6 =	simm.s32 @!p1 $0x1082;
	[sflag:s4] =	ssyncset.s32 $0xFFFFF086  }
0x25: {  	[simem:s6], [sflag:s4] =	dma.local [hbm:s3], $0xF7A  }
0x26: {  	[smem:$0x3F9F] =	sst s1;
	(tag) =	ssettag s2;
	_ =	strace s9  }
0x27: {  	s1 =	sld [smem:$0x3FAF]  }
0x28: {  	s2 =	sld [smem:$0x3FB0]  }
0x29: {  	s4 =	sld [smem:$0x3FB2]  }
0x2a: {  	p0 =	seq.s32 s5, $0x0;
	s5 =	sld [smem:$0x3FB3]  }
0x2b: {  	s6 =	sld [smem:$0x3FB4]  }
0x2c: {  	s7 =	sld [smem:$0x3FB5]  }
0x2d: {  	s3 =	simm.s32 $0x108;
	s8 =	sld [smem:$0x3FB6]  }
0x2e: {  	s3 =	simm.s32 @!p0 $0x1082;
	s9 =	sld [smem:$0x3FB7]  }
0x2f: {  	lr =	sadd.s32 s0, s3;
	s0 =	sld [smem:$0x3FAE]  }
0x30: {  	s3 =	sld [smem:$0x3FB1]  }
0x31: {  	[smem:$0x3FBA] =	sst s10  }
0x32: {  	s10 =	sld [smem:$0x3FB8];
	_ =	sdelay $0x3  }
0x33: {  	p0 =	seq.s32 s10, $0x1;
	s10 =	sld [smem:$0x3FBA];
	_ =	sdelay $0x3  }
0x34: {  	[smem:$0x3FBA] =	sst s10  }
0x35: {  	s10 =	sld [smem:$0x3FB9];
	_ =	sdelay $0x3  }
0x36: {  	p1 =	seq.s32 s10, $0x1;
	s10 =	sld [smem:$0x3FBA];
	_ =	sdelay $0x3  }
0x37: {  	[smem:$0x3FBA] =	sst s10  }
0x38: {  	s10 =	sld [smem:$0x3FBB]  }
0x39: {  	_ = 	snop;
	(pc) =	sbr.ind lr, $3  }
0x3a: {  	_ = 	snop  }
0x3b: {  	_ = 	snop  }
0x3c: {  	p2 =	seq.s32 s10, $0x1;
	s10 =	sld [smem:$0x3FBA]  }
0x3d: {  	_ =	shalt  }
0x3e: {  	_ =	shalt  }
0x3f: {  	_ =	shalt  }
0x40: {  	_ =	shalt  }
0x41: {  	_ =	shalt  }
0x42: {  	_ =	shalt  }
0x43: {  	_ =	shalt  }
0x44: {  	_ =	shalt  }
0x45: {  	_ =	shalt  }
0x46: {  	_ =	shalt  }
0x47: {  	_ =	shalt  }
0x48: {  	_ =	shalt  }
0x49: {  	_ =	shalt  }
0x4a: {  	_ =	shalt  }
0x4b: {  	_ =	shalt  }
0x4c: {  	_ =	shalt  }
0x4d: {  	_ =	shalt  }
0x4e: {  	_ =	shalt  }
0x4f: {  	_ =	shalt  }
0x50: {  	_ =	shalt  }
0x51: {  	_ =	shalt  }
0x52: {  	_ =	shalt  }
0x53: {  	_ =	shalt  }
0x54: {  	_ =	shalt  }
0x55: {  	_ =	shalt  }
0x56: {  	_ =	shalt  }
0x57: {  	_ =	shalt  }
0x58: {  	_ =	shalt  }
0x59: {  	_ =	shalt  }
0x5a: {  	_ =	shalt  }
0x5b: {  	_ =	shalt  }
0x5c: {  	_ =	shalt  }
0x5d: {  	_ =	shalt  }
0x5e: {  	_ =	shalt  }
0x5f: {  	_ =	shalt  }
0x60: {  	_ =	shalt  }
0x61: {  	_ =	shalt  }
0x62: {  	_ =	shalt  }
0x63: {  	_ =	shalt  }
0x64: {  	_ =	shalt  }
0x65: {  	_ =	shalt  }
0x66: {  	_ =	shalt  }
0x67: {  	_ =	shalt  }
0x68: {  	_ =	shalt  }
0x69: {  	_ =	shalt  }
0x6a: {  	_ =	shalt  }
0x6b: {  	_ =	shalt  }
0x6c: {  	_ =	shalt  }
0x6d: {  	_ =	shalt  }
0x6e: {  	_ =	shalt  }
0x6f: {  	_ =	shalt  }
0x70: {  	_ =	shalt  }
0x71: {  	_ =	shalt  }
0x72: {  	_ =	shalt  }
0x73: {  	_ =	shalt  }
0x74: {  	_ =	shalt  }
0x75: {  	_ =	shalt  }
0x76: {  	_ =	shalt  }
0x77: {  	_ =	shalt  }
0x78: {  	_ =	shalt  }
0x79: {  	_ =	shalt  }
0x7a: {  	_ =	shalt  }
0x7b: {  	_ =	shalt  }
0x7c: {  	_ =	shalt  }
0x7d: {  	_ =	shalt  }
0x7e: {  	_ =	shalt  }
0x7f: {  	_ =	shalt  }
0x80: {  	_ =	shalt  }
0x81: {  	_ =	shalt  }
0x82: {  	_ =	shalt  }
0x83: {  	_ =	shalt  }
0x84: {  	_ =	shalt  }
0x85: {  	_ =	shalt  }
0x86: {  	_ =	shalt  }
0x87: {  	_ =	shalt  }
.Lfunc_end0:
.L_simem_size_0:
called_computation.2_lowered:
.L_overlay_start_0:
0x88: {  	s2 =	sld [smem:$0x3FD9]  }
0x89: {  	s3 =	sld [smem:$0x3FFE];
	_ =	sdelay $0x1  }
0x8a: {  	s1 =	srdreg.scid  }
0x8b: {  	s0 =	sand.u32 $0x1, s1  }
0x8c: {  	s17 =	sshll.u32 s0, $0xA;
	s2 =	sadd.s32 s3, s2  }
0x8d: {  	s2 =	sadd.s32 s2, s17  }
0x8e: {  	[smem:$0x3FC6] =	sst s2  }
0x8f: {  	_ = 	snop  }
0x90: {  	s2 =	sld [smem:$0x3FD0];
	(tm) =	ssettm $0x1  }
0x91: {  	s18 =	sld [smem:$0x3FFB];
	_ =	sdelay $0x3  }
0x92: {  	_ =	strace s18  }
0x93: {  	s3 =	sld [smem:$0x3FFC];
	_ =	sdelay $0x3  }
0x94: {  	_ =	strace s3  }
0x95: {  	s3 =	sld [smem:$0x3FFD];
	_ =	sdelay $0x3  }
0x96: {  	_ =	strace s3  }
0x97: {  	_ =	strace $0x8FFFFFFF  }
0x98: {  	s19 =	sld [smem:$0x3FDB];
	_ =	sdelay $0x1  }
0x99: {  	s4 =	simm.s32 $_scs_section_size  }
0x9a: {  	s5 =	simm.s32 $_size__tile_overlayer_lowered;
	s6 =	simm.s32 $_tile_overlayer_lowered  }
0x9b: {  	s22 =	simm.s32 $0x1BFF;
	s21 =	sshll.u32 s6, $0x1;
	s3 =	sadd.s32 s4, s19  }
0x9c: {  	s7 =	simm.s32 $0x0;
	s20 =	sshll.u32 s5, $0x1;
	s5 =	sadd.s32 s21, s3  }
0x9d: {  	[timem:s7], [sflag:s22] =	dma.local [hbm:s5], s20  }
0x9e: {  	_ =	swait.ge [sflag:s22], s20  }
0x9f: {  	s4 =	ssub.s32 $0x0, s20;
	[sflag:s22] =	ssyncset.done $0x0  }
0xa0: {  	[sflag:s22] =	ssyncadd.s32 s4;
	_ =	sdelay $0x1  }
0xa1: {  	s23 =	simm.s32 $0x1B8B  }
0xa2: {  	_ =	swait.ge [sflag:s23], $0x1  }
0xa3: {  	[sflag:s23] =	ssyncset.done $0x0  }
0xa4: {  	s25 =	simm.s32 $0x1B8E;
	s24 =	sld [smem:$0x3FFE];
	[sflag:s23] =	ssyncadd.s32 $0xFFFFFFFF  }
0xa5: {  	s26 =	simm.s32 $execute0_lowered;
	[smem:$0x3FD2] =	sst s25  }
0xa6: {  	s5 =	sshll.u32 s26, $0x1;
	_ =	strace $0x80000049;
	[dreg:$0x1] =	wrdreg $0xFFFFFFFF  }
0xa7: {  	s28 =	simm.s32 $_size_execute0_lowered;
	s3 =	sadd.s32 s3, s5;
	[dreg:$0x0] =	wrdreg $0x0  }
0xa8: {  	s5 =	sshll.u32 s28, $0x1;
	[dreg:$0x2] =	wrdreg s3  }
0xa9: {  	[dreg:$0x3] =	wrdreg s5  }
0xaa: {  	[dreg:$0x4] =	wrdreg $0xC0  }
0xab: {  	_ =	task [dreg:s7], $0x5FFFF  }
0xac: {  	[dreg:$0x1] =	wrdreg $0xFFFFFFFF  }
0xad: {  	[dreg:$0x0] =	wrdreg $0x60  }
0xae: {  	[dreg:$0x2] =	wrdreg s24  }
0xaf: {  	[dreg:$0x3] =	wrdreg s2  }
0xb0: {  	[dreg:$0x4] =	wrdreg $0x9  }
0xb1: {  	_ =	task.clear_ibuf [dreg:s7], $0x5FFFF;
	_ =	strace $0x90000049  }
0xb2: {  	s29 =	simm.s32 $0x9;
	_ =	strace $0x8000004B  }
0xb3: {  	_ =	swait.ge [sflag:s29], $0x1  }
0xb4: {  	[sflag:s29] =	ssyncadd.s32 $0xFFFFFFFF  }
0xb5: {  	_ =	strace $0x9000004B  }
0xb6: {  	_ =	sfence  }
0xb7: {  	s30 =	sld [smem:$0x0];
	_ =	sdelay $0x2  }
0xb8: {  	s31 =	sshll.u32 s1, $0xD;
	s1 =	sshrl.u32 s1, $0x2  }
0xb9: {  	s3 =	sand.u32 $0x4000, s31;
	s1 =	sadd.s32 s1, s30  }
0xba: {  	s0 =	sor.u32 s3, s0;
	s1 =	sshll.u32 s1, $0x11  }
0xbb: {  	s0 =	sor.u32 s1, s0  }
0xbc: {  	s0 =	sadd.s32 $0x8F2B, s0  }
0xbd: {  	[sflag:s0] =	ssyncadd.remote.s32 $0x1  }
0xbe: {  	_ =	sfence.sel $0xFFFF  }
0xbf: {  	[dreg:$0x0] =	wrdreg $0xFFFFFFFF;
	(pc) =	sbr.abs _section_cstart, $3  }
0xc0: {  	[dreg:$0x1] =	wrdreg $0xFFFFFFFF  }
0xc1: {  	_ =	task.clear_ibuf [dreg:s7], $0x2FFFF;
	_ =	strace $0x9FFFFFFF  }
0xc2: {  	(tm) =	ssettm $0x7FFFFFFF  }
0xc3: {  	_ =	shalt  }
tec
execute0_lowered:
.L_overlay_start_1:
0x0: {  	(tag) =	ssettag $0x1  }
0x1: {  	s2 =	rddreg [dreg:$0x0]  }
0x2: {  	s1 =	srdreg.scid;
	s0 =	stileid.u32  }
0x3: {  	s3 =	rddreg [dreg:$0x1];
	s4 =	simm.s32 $0x0;
	s11 =	simm.s32 $0x1  }
0x4: {  	s12 =	simm.s32 $0x10800;
	s5 =	sand.u32 $0x1, s1;
	s6 =	sshll.u32 s0, $0x1  }
0x5: {  	s13 =	simm.s32 $0x80;
	s14 =	simm.s32 $0x2;
	s6 =	sor.u32 s5, s6  }
0x6: {  	s1 =	rddreg [dreg:$0x2];
	s7 =	ssub.s32 $0x2, s5;
	s5 =	smul.u32 $0x3400, s6  }
0x7: {  	s15 =	simm.s32 $0x0;
	[smem:$0x7FF] =	sst s4;
	s9 =	smul.u32 $0xD000, s6  }
0x8: {  	_ =	strace $0x8000004A;
	s8 =	sshrl.u32 s7, $0x1;
	s6 =	sadd.s32 $0xD000, s2  }
0x9: {  	s10 =	ssub.s32 s7, s8;
	s31 =	sshrl.u32 s5, $0x3;
	s8 =	sadd.s32 s6, s9  }
0xa: {  	v0 =	vlaneseq.u32;
	s9 =	smax.u32 s10, $0x1;
	s10 =	simm.s32 $0x800;
	s7 =	sadd.s32 s2, s31  }
.LBB2_1:
0xb: {  	[tilespmem:s4], [sflag:$0x1] =	stream.linear.gather [hbm4b:s7+s4], $0x400, $0x38;
	[tilespmem:$0x11000] =	vst v63  }
0xc: {  	s18 =	simm.s32 $0x0  }
0xd: {  	[tilespmem:s10], [sflag:$0x1] =	stream.linear.gather [hbm4b:s8+s4], $0x8000, $0x38;
	[tilespmem:$0x11000] =	vst v63  }
.LBB2_2:
0xe: {  	_ =	swait.ge [sflag:s11], $0x400  }
0xf: {  	[sflag:s11] =	ssyncset.done $0x0  }
0x10: {  	[sflag:s11] =	ssyncadd.s32 $0xFFFFFC00  }
0x11: {  	_ =	swait.ge [sflag:s11], $0x8000  }
0x12: {  	p0 =	slt.u32 s18, $0x2;
	[sflag:s11] =	ssyncset.done $0x0  }
0x13: {  	s16 =	simm.s32 @!p0 $0x2;
	[sflag:s11] =	ssyncadd.s32 $0xFFFF8000  }
0x14: {  	_ =	swait.ge @!p0 [sflag:s16], $0x1000  }
0x15: {  	[sflag:s16] =	ssyncset.done @!p0 $0x0  }
0x16: {  	[sflag:s16] =	ssyncadd.s32 @!p0 $0xFFFFF000  }
0x17: {  	_ =	swait.ge @!p0 [sflag:s16], $0x1000  }
0x18: {  	[sflag:s16] =	ssyncset.done @!p0 $0x0  }
0x19: {  	[sflag:s16] =	ssyncadd.s32 @!p0 $0xFFFFF000  }
0x1a: {  	_ =	swait.ge @!p0 [sflag:s16], $0x1000  }
0x1b: {  	[sflag:s16] =	ssyncset.done @!p0 $0x0  }
0x1c: {  	[sflag:s16] =	ssyncadd.s32 @!p0 $0xFFFFF000  }
0x1d: {  	_ =	swait.ge @!p0 [sflag:s16], $0x1000  }
0x1e: {  	[sflag:s16] =	ssyncset.done @!p0 $0x0  }
0x1f: {  	[sflag:s16] =	ssyncadd.s32 @!p0 $0xFFFFF000  }
0x20: {  	_ =	swait.ge @!p0 [sflag:s16], $0x1000  }
0x21: {  	[sflag:s16] =	ssyncset.done @!p0 $0x0  }
0x22: {  	[sflag:s16] =	ssyncadd.s32 @!p0 $0xFFFFF000  }
0x23: {  	_ =	swait.ge @!p0 [sflag:s16], $0x1000  }
0x24: {  	[sflag:s16] =	ssyncset.done @!p0 $0x0  }
0x25: {  	p1 =	seq.s32 @!p0 s18, $0xC;
	[sflag:s16] =	ssyncadd.s32 @!p0 $0xFFFFF000  }
0x26: {  	p1 =	por p0, !p1;
	_ =	swait.ge @!p0 [sflag:s16], $0x1000  }
.Ltmp0:
0x27: {  	[sflag:s16] =	ssyncset.done @!p0 $0x0;
	(pc) =	sbr.rel @p1 .LBB2_4-.Ltmp0, $4  }
0x28: {  	[sflag:s16] =	ssyncadd.s32 @!p0 $0xFFFFF000  }
0x29: {  	_ =	swait.ge @!p0 [sflag:s16], $0x1000  }
0x2a: {  	[sflag:s16] =	ssyncset.done @!p0 $0x0  }
0x2b: {  	s17 =	sand.u32 $0x1, s18;
	[sflag:s16] =	ssyncadd.s32 @!p0 $0xFFFFF000  }
.Ltmp1:
0x2c: {  	(pc) =	sbr.rel .LBB2_5-.Ltmp1, $2  }
0x2d: {  	_ =	sdelay $0x2  }
0x2e: {  	s16 =	simm.s32 @!p0 $0xD;
	s19 =	simm.s32 @!p0 $0x0  }
.LBB2_4:
0x2f: {  	s16 =	sadd.s32 $0x1, s18  }
0x30: {  	s19 =	sshll.u32 s16, $0xA  }
0x31: {  	s20 =	sadd.s32 s5, s19;
	s19 =	sshll.u32 s17, $0xA  }
0x32: {  	s21 =	sshrl.u32 s20, $0x3;
	s22 =	sxor.u32 $0x400, s19;
	s20 =	sshll.u32 s20, $0x2  }
0x33: {  	s21 =	sadd.s32 s2, s21;
	s31 =	sshll.u32 s22, $0x5;
	s20 =	sand.u32 $0x1FFFF000, s20  }
0x34: {  	[tilespmem:s22], [sflag:$0x1] =	stream.linear.gather [hbm4b:s21+s4], $0x400, $0x38;
	[tilespmem:$0x11000] =	vst v63  }
0x35: {  	s21 =	sor.u32 $0x800, s31;
	s20 =	sadd.s32 s6, s20  }
0x36: {  	[tilespmem:s21], [sflag:$0x1] =	stream.linear.gather [hbm4b:s20+s4], $0x8000, $0x38;
	[tilespmem:$0x11000] =	vst v63  }
.LBB2_5:
0x37: {  	s20 =	sadd.s32 $0x0, s19  }
0x38: {  	v2 =	vor.u32 s20, v0;
	_ =	sdelay $0x4  }
0x39: {  	s20 =	sshll.u32 s17, $0x3;
	v2 =	vld.idx.msk [tilespmem:v2+s4+$0x0], $0xffff  }
0x3a: {  	s18 =	sshll.u32 s18, $0xA;
	s21 =	simm.s32 $0x0;
	s22 =	sadd.s32 $0x0, s20  }
0x3b: {  	s18 =	sadd.s32 s5, s18;
	s21 =	sand.u32 $0x70, s21;
	s22 =	sshll.u32 s22, $0x7  }
0x3c: {  	s23 =	sshrl.u32 s18, $0xE;
	s18 =	simm.s32 $0x1;
	s24 =	sor.u32 s21, s22  }
0x3d: {  	v1 =	vmov s23;
	s23 =	sadd.s32 $0x10, s19;
	s21 =	simm.s32 $0x10;
	s22 =	simm.s32 $0x2;
	v3 =	vor.u32 s24, v0  }
.LBB2_6:
0x3e: {  	p0 =	sne.s32 s22, $0x3F;
	v4 =	vor.u32 s23, v0;
	v2 =	vand.u32 $0x3FFF, v2  }
0x3f: {  	v2 =	vmul.u32 $0x1A, v2;
	_ =	sdelay $0x1  }
0x40: {  	v2 =	vadd.s32 v1, v2  }
0x41: {  	[tilespmem:v3+s12+$0x0] =	vst.idx.msk $0xffff, v2  }
0x42: {  	v2 =	vld.idx.msk [tilespmem:v4+s4+$0x0], $0xffff  }
.Ltmp2:
0x43: {  	s23 =	sshrl.u32 s18, $0x3;
	s18 =	smov.u32 s22;
	(pc) =	sbr.rel @p0 .LBB2_6-.Ltmp2, $4  }
0x44: {  	s23 =	sadd.s32 s20, s23  }
0x45: {  	s24 =	sand.u32 $0x70, s21;
	s23 =	sshll.u32 s23, $0x7  }
0x46: {  	s21 =	sadd.s32 $0x10, s21;
	s24 =	sor.u32 s24, s23  }
0x47: {  	s22 =	sadd.s32 $0x1, s22;
	s23 =	sadd.s32 s21, s19;
	v3 =	vor.u32 s24, v0  }
0x48: {  	v4 =	vor.u32 s23, v0;
	v2 =	vand.u32 $0x3FFF, v2  }
0x49: {  	v2 =	vmul.u32 $0x1A, v2;
	_ =	sdelay $0x1  }
0x4a: {  	v2 =	vadd.s32 v1, v2  }
0x4b: {  	[tilespmem:v3+s12+$0x0] =	vst.idx.msk $0xffff, v2  }
0x4c: {  	s18 =	sshrl.u32 s18, $0x3;
	v2 =	vld.idx.msk [tilespmem:v4+s4+$0x0], $0xffff  }
0x4d: {  	s18 =	sadd.s32 s20, s18  }
0x4e: {  	s19 =	sand.u32 $0x70, s21;
	s18 =	sshll.u32 s18, $0x7  }
0x4f: {  	s18 =	sor.u32 s19, s18  }
0x50: {  	v3 =	vor.u32 s18, v0  }
0x51: {  	v2 =	vand.u32 $0x3FFF, v2  }
0x52: {  	v2 =	vmul.u32 $0x1A, v2;
	_ =	sdelay $0x1  }
0x53: {  	s18 =	sshll.u32 s17, $0xF;
	s17 =	sshll.u32 s17, $0xA;
	v1 =	vadd.s32 v1, v2  }
0x54: {  	s28 =	sor.u32 $0x800, s18;
	s29 =	sor.u32 $0x10800, s17;
	[tilespmem:v3+s12+$0x0] =	vst.idx.msk $0xffff, v1  }
0x55: {  	[hbm4b:s3+s13] =	stream.indirect.scatter [tilespmem:s28], [sflag:$0x2], $0x20, s29, s13, $0xb8;
	[tilespmem:$0x11000] =	vst v63  }
0x56: {  	s30 =	sor.u32 $0x1800, s18;
	s31 =	sor.u32 $0x10880, s17  }
0x57: {  	[hbm4b:s3+s13] =	stream.indirect.scatter [tilespmem:s30], [sflag:$0x2], $0x20, s31, s13, $0xb8;
	[tilespmem:$0x11000] =	vst v63  }
0x58: {  	s21 =	sor.u32 $0x2800, s18;
	s22 =	sor.u32 $0x10900, s17  }
0x59: {  	[hbm4b:s3+s13] =	stream.indirect.scatter [tilespmem:s21], [sflag:$0x2], $0x20, s22, s13, $0xb8;
	[tilespmem:$0x11000] =	vst v63  }
0x5a: {  	s23 =	sor.u32 $0x3800, s18;
	s24 =	sor.u32 $0x10980, s17  }
0x5b: {  	[hbm4b:s3+s13] =	stream.indirect.scatter [tilespmem:s23], [sflag:$0x2], $0x20, s24, s13, $0xb8;
	[tilespmem:$0x11000] =	vst v63  }
0x5c: {  	s25 =	sor.u32 $0x4800, s18;
	s26 =	sor.u32 $0x10A00, s17  }
0x5d: {  	[hbm4b:s3+s13] =	stream.indirect.scatter [tilespmem:s25], [sflag:$0x2], $0x20, s26, s13, $0xb8;
	[tilespmem:$0x11000] =	vst v63  }
0x5e: {  	p0 =	slt.u32 s16, $0xD;
	s28 =	sor.u32 $0x5800, s18;
	s29 =	sor.u32 $0x10A80, s17  }
0x5f: {  	[hbm4b:s3+s13] =	stream.indirect.scatter [tilespmem:s28], [sflag:$0x2], $0x20, s29, s13, $0xb8;
	[tilespmem:$0x11000] =	vst v63  }
.Ltmp3:
0x60: {  	s30 =	sor.u32 $0x6800, s18;
	s31 =	sor.u32 $0x10B00, s17;
	(pc) =	sbr.rel @p0 .LBB2_2-.Ltmp3, $4  }
0x61: {  	[hbm4b:s3+s13] =	stream.indirect.scatter [tilespmem:s30], [sflag:$0x2], $0x20, s31, s13, $0xb8;
	[tilespmem:$0x11000] =	vst v63  }
0x62: {  	s18 =	sor.u32 $0x7800, s18;
	s17 =	sor.u32 $0x10B80, s17  }
0x63: {  	[hbm4b:s3+s13] =	stream.indirect.scatter [tilespmem:s18], [sflag:$0x2], $0x20, s17, s13, $0xb8;
	[tilespmem:$0x11000] =	vst v63  }
0x64: {  	s18 =	smov.u32 s16  }
0x65: {  	_ =	swait.ge [sflag:s14], $0x1000  }
0x66: {  	[sflag:s14] =	ssyncset.done $0x0  }
0x67: {  	[sflag:s14] =	ssyncadd.s32 $0xFFFFF000  }
0x68: {  	_ =	swait.ge [sflag:s14], $0x1000  }
0x69: {  	[sflag:s14] =	ssyncset.done $0x0  }
0x6a: {  	[sflag:s14] =	ssyncadd.s32 $0xFFFFF000  }
0x6b: {  	_ =	swait.ge [sflag:s14], $0x1000  }
0x6c: {  	[sflag:s14] =	ssyncset.done $0x0  }
0x6d: {  	[sflag:s14] =	ssyncadd.s32 $0xFFFFF000  }
0x6e: {  	_ =	swait.ge [sflag:s14], $0x1000  }
0x6f: {  	[sflag:s14] =	ssyncset.done $0x0  }
0x70: {  	[sflag:s14] =	ssyncadd.s32 $0xFFFFF000  }
0x71: {  	_ =	swait.ge [sflag:s14], $0x1000  }
0x72: {  	[sflag:s14] =	ssyncset.done $0x0  }
0x73: {  	[sflag:s14] =	ssyncadd.s32 $0xFFFFF000  }
0x74: {  	_ =	swait.ge [sflag:s14], $0x1000  }
0x75: {  	[sflag:s14] =	ssyncset.done $0x0  }
0x76: {  	[sflag:s14] =	ssyncadd.s32 $0xFFFFF000  }
0x77: {  	_ =	swait.ge [sflag:s14], $0x1000  }
0x78: {  	[sflag:s14] =	ssyncset.done $0x0  }
0x79: {  	[sflag:s14] =	ssyncadd.s32 $0xFFFFF000  }
0x7a: {  	_ =	swait.ge [sflag:s14], $0x1000  }
0x7b: {  	[sflag:s14] =	ssyncset.done $0x0  }
0x7c: {  	[sflag:s14] =	ssyncadd.s32 $0xFFFFF000  }
0x7d: {  	_ =	swait.ge [sflag:s14], $0x1000  }
0x7e: {  	[sflag:s14] =	ssyncset.done $0x0  }
0x7f: {  	[sflag:s14] =	ssyncadd.s32 $0xFFFFF000  }
0x80: {  	_ =	swait.ge [sflag:s14], $0x1000  }
0x81: {  	[sflag:s14] =	ssyncset.done $0x0  }
0x82: {  	[sflag:s14] =	ssyncadd.s32 $0xFFFFF000  }
0x83: {  	_ =	swait.ge [sflag:s14], $0x1000  }
0x84: {  	[sflag:s14] =	ssyncset.done $0x0  }
0x85: {  	[sflag:s14] =	ssyncadd.s32 $0xFFFFF000  }
0x86: {  	_ =	swait.ge [sflag:s14], $0x1000  }
0x87: {  	[sflag:s14] =	ssyncset.done $0x0  }
0x88: {  	[sflag:s14] =	ssyncadd.s32 $0xFFFFF000  }
0x89: {  	_ =	swait.ge [sflag:s14], $0x1000  }
0x8a: {  	[sflag:s14] =	ssyncset.done $0x0  }
0x8b: {  	[sflag:s14] =	ssyncadd.s32 $0xFFFFF000  }
0x8c: {  	_ =	swait.ge [sflag:s14], $0x1000  }
0x8d: {  	[sflag:s14] =	ssyncset.done $0x0  }
0x8e: {  	s15 =	sadd.s32 $0x1, s15;
	[sflag:s14] =	ssyncadd.s32 $0xFFFFF000  }
0x8f: {  	p0 =	sne.s32 s15, s9;
	_ =	swait.ge [sflag:s14], $0x1000  }
.Ltmp4:
0x90: {  	[sflag:s14] =	ssyncset.done $0x0;
	(pc) =	sbr.rel @p0 .LBB2_1-.Ltmp4, $4  }
0x91: {  	[sflag:s14] =	ssyncadd.s32 $0xFFFFF000  }
0x92: {  	_ =	swait.ge [sflag:s14], $0x1000  }
0x93: {  	[sflag:s14] =	ssyncset.done $0x0  }
0x94: {  	[sflag:s14] =	ssyncadd.s32 $0xFFFFF000  }
0x95: {  	_ =	sfence.sel $0x180000  }
0x96: {  	[bflag:$0x0] =	sbarrier.arrive $0xFFFF  }
0x97: {  	p0 =	sne.s32 s0, $0x0;
	_ =	strace $0x9000004A  }
0x98: {  	s0 =	sadd.s32 @!p0 $0x100000, s1;
	[bflag:$0x2] =	sbarrier.arrive $0xFFFF  }
0x99: {  	[sflag:s0] =	ssyncadd.tile.s32 @!p0 $0x1;
	_ =	shalt  }
.Lfunc_end2:
_tile_overlayer_lowered:
.L_overlay_start_2:
0x9a: {  	(tag) =	ssettag $0x2  }
0x9b: {  	s0 =	rddreg [dreg:$0x0];
	s2 =	stileid.u32  }
0x9c: {  	s1 =	rddreg [dreg:$0x1];
	p0 =	sne.s32 s2, $0x0  }
0x9d: {  	s3 =	rddreg [dreg:$0x2];
	[bflag:$0x3] =	sbarrier.arrive $0xFFFF;
	s2 =	simm.s32 @!p0 $0x1C03  }
0x9e: {  	[timem:s3], [sflag:s2] =	dma.local @!p0 [hbm:s0], s1  }
0x9f: {  	s0 =	simm.s32 @!p0 $0x3  }
0xa0: {  	_ =	swait.ge @!p0 [sflag:s0], s1  }
0xa1: {  	s1 =	ssub.s32 @!p0 $0x0, s1;
	[sflag:s0] =	ssyncset.done @!p0 $0x0  }
0xa2: {  	[sflag:s0] =	ssyncadd.s32 @!p0 s1  }
0xa3: {  	[bflag:$0x3] =	sbarrier.arrive $0xFFFF  }
0xa4: {  	_ =	shalt  }

// kernel: sparse-core-data-format-call.cloned.1.call-start
scs
called_computation_lowered:
.L_overlay_start_0:
0x0: {  	s2 =	sld [smem:$0x3FD9]  }
0x1: {  	s3 =	sld [smem:$0x3FFE];
	_ =	sdelay $0x1  }
0x2: {  	s1 =	srdreg.scid  }
0x3: {  	s0 =	sand.u32 $0x1, s1  }
0x4: {  	s18 =	sshll.u32 s0, $0xA;
	s2 =	sadd.s32 s3, s2  }
0x5: {  	s2 =	sadd.s32 s2, s18  }
0x6: {  	[smem:$0x3FC6] =	sst s2  }
0x7: {  	_ = 	snop  }
0x8: {  	s2 =	sld [smem:$0x3FD0];
	(tm) =	ssettm $0x1  }
0x9: {  	s19 =	sld [smem:$0x3FFB];
	_ =	sdelay $0x3  }
0xa: {  	_ =	strace s19  }
0xb: {  	s3 =	sld [smem:$0x3FFC];
	_ =	sdelay $0x3  }
0xc: {  	_ =	strace s3  }
0xd: {  	s3 =	sld [smem:$0x3FFD];
	_ =	sdelay $0x3  }
0xe: {  	_ =	strace s3  }
0xf: {  	_ =	strace $0x8FFFFFFF  }
0x10: {  	s20 =	sld [smem:$0x3FDB];
	_ =	sdelay $0x1  }
0x11: {  	s4 =	simm.s32 $_scs_section_size  }
0x12: {  	s5 =	simm.s32 $_size__tile_overlayer_lowered;
	s6 =	simm.s32 $_tile_overlayer_lowered  }
0x13: {  	s23 =	simm.s32 $0x1BFF;
	s22 =	sshll.u32 s6, $0x1;
	s3 =	sadd.s32 s4, s20  }
0x14: {  	s7 =	simm.s32 $0x0;
	s21 =	sshll.u32 s5, $0x1;
	s5 =	sadd.s32 s22, s3  }
0x15: {  	[timem:s7], [sflag:s23] =	dma.local [hbm:s5], s21  }
0x16: {  	_ =	swait.ge [sflag:s23], s21  }
0x17: {  	s4 =	ssub.s32 $0x0, s21;
	[sflag:s23] =	ssyncset.done $0x0  }
0x18: {  	[sflag:s23] =	ssyncadd.s32 s4;
	_ =	sdelay $0x1  }
0x19: {  	s24 =	simm.s32 $0x1B8B  }
0x1a: {  	_ =	swait.ge [sflag:s24], $0x1  }
0x1b: {  	[sflag:s24] =	ssyncset.done $0x0  }
0x1c: {  	s26 =	simm.s32 $0x1B8E;
	s25 =	sld [smem:$0x3FFE];
	[sflag:s24] =	ssyncadd.s32 $0xFFFFFFFF  }
0x1d: {  	s27 =	simm.s32 $execute0_lowered;
	[smem:$0x3FD2] =	sst s26  }
0x1e: {  	s5 =	sshll.u32 s27, $0x1;
	_ =	strace $0x8000004C;
	[dreg:$0x1] =	wrdreg $0xFFFFFFFF  }
0x1f: {  	s28 =	simm.s32 $_size_execute0_lowered;
	s3 =	sadd.s32 s3, s5;
	[dreg:$0x0] =	wrdreg $0x0  }
0x20: {  	s5 =	sshll.u32 s28, $0x1;
	[dreg:$0x2] =	wrdreg s3  }
0x21: {  	[dreg:$0x3] =	wrdreg s5  }
0x22: {  	[dreg:$0x4] =	wrdreg $0xC0  }
0x23: {  	_ =	task [dreg:s7], $0x5FFFF  }
0x24: {  	[dreg:$0x1] =	wrdreg $0xFFFFFFFF  }
0x25: {  	[dreg:$0x0] =	wrdreg $0x60  }
0x26: {  	[dreg:$0x2] =	wrdreg s25  }
0x27: {  	[dreg:$0x3] =	wrdreg s2  }
0x28: {  	[dreg:$0x4] =	wrdreg $0x9  }
0x29: {  	_ =	task.clear_ibuf [dreg:s7], $0x5FFFF;
	_ =	strace $0x9000004C  }
0x2a: {  	s29 =	simm.s32 $0x9;
	_ =	strace $0x8000004E  }
0x2b: {  	_ =	swait.ge [sflag:s29], $0x1  }
0x2c: {  	[sflag:s29] =	ssyncadd.s32 $0xFFFFFFFF  }
0x2d: {  	_ =	strace $0x9000004E  }
0x2e: {  	_ =	sfence  }
0x2f: {  	s30 =	sld [smem:$0x0];
	_ =	sdelay $0x2  }
0x30: {  	s31 =	sshll.u32 s1, $0xD;
	s1 =	sshrl.u32 s1, $0x2  }
0x31: {  	s3 =	sand.u32 $0x4000, s31;
	s1 =	sadd.s32 s1, s30  }
0x32: {  	s0 =	sor.u32 s3, s0;
	s1 =	sshll.u32 s1, $0x11  }
0x33: {  	s0 =	sor.u32 s1, s0  }
0x34: {  	s0 =	sadd.s32 $0x8F2B, s0  }
0x35: {  	[sflag:s0] =	ssyncadd.remote.s32 $0x1  }
0x36: {  	_ =	sfence.sel $0xFFFF  }
0x37: {  	[dreg:$0x0] =	wrdreg $0xFFFFFFFF;
	(pc) =	sbr.abs _section_cstart, $3  }
0x38: {  	[dreg:$0x1] =	wrdreg $0xFFFFFFFF  }
0x39: {  	_ =	task.clear_ibuf [dreg:s7], $0x2FFFF;
	_ =	strace $0x9FFFFFFF  }
0x3a: {  	(tm) =	ssettm $0x7FFFFFFF  }
0x3b: {  	_ =	shalt  }
tec
execute0_lowered:
.L_overlay_start_1:
0x0: {  	(tag) =	ssettag $0x1  }
0x1: {  	s0 =	srdreg.scid  }
0x2: {  	s1 =	sshll.u32 s0, $0x4  }
0x3: {  	s0 =	stileid.u32;
	s1 =	sand.u32 $0x10, s1  }
0x4: {  	s3 =	rddreg [dreg:$0x0];
	s1 =	sor.u32 s0, s1  }
0x5: {  	s4 =	rddreg [dreg:$0x1];
	s6 =	simm.s32 $0x1;
	s2 =	sshll.u32 s1, $0x7  }
0x6: {  	s31 =	simm.s32 $0x2;
	s15 =	simm.s32 $0x0;
	s5 =	ssub.s32 $0x4000, s2  }
0x7: {  	s8 =	simm.s32 $0x20000;
	s14 =	simm.s32 $0x0;
	s30 =	sand.u32 $0xF80, s5  }
0x8: {  	s9 =	simm.s32 $0x0;
	s10 =	simm.s32 $0x0;
	p0 =	sne.s32 s30, $0x0  }
.Ltmp0:
0x9: {  	s7 =	sshrl.u32 s5, $0xC;
	s6 =	simm.s32 @!p0 $0x0;
	(pc) =	sbr.rel .LBB1_1-.Ltmp0, $4  }
0xa: {  	s11 =	simm.s32 $0x0;
	s1 =	rddreg [dreg:$0x2];
	s6 =	sadd.s32 s6, s7  }
0xb: {  	_ =	strace $0x8000004D;
	s5 =	simm.s32 $0x1;
	s6 =	smul.u32 $0x7, s6  }
0xc: {  	s13 =	simm.s32 $0x0;
	s12 =	smov.u32 s2;
	[sflag:s5] =	ssyncpa.u1 $0x0  }
0xd: {  	[sflag:s31] =	ssyncpa.u1 $0x0;
	p0 =	por $0x0, $0x0;
	s7 =	sadd.s32 $0x1, s6  }
.LBB1_4:
0xe: {  	s20 =	sshra.s32 s20, $0x2  }
0xf: {  	s28 =	sand.u32 $0x78, s10;
	s21 =	sshll.u32 s9, $0xE;
	s22 =	sshll.u32 s10, $0x3  }
0x10: {  	s24 =	sshll.u32 s9, $0x7;
	p1 =	sgt.s32 s9, $0x2C0;
	s30 =	sshra.s32 s9, $0x1F  }
0x11: {  	s26 =	sshra.s32 s10, $0x1F;
	s19 =	sadd.s32 s20, s19;
	s21 =	sand.u32 $0xFFFE0000, s21  }
0x12: {  	v5 =	vld [tilespmem:s17+$0xFFFFFFD0];
	[tilespmem:s18+$0x2040 ss:$0x81] =	vst.msk $0xffff, v4;
	s23 =	sand.u32 $0xFFFFFC00, s22;
	s29 =	sand.u32 $0x380, s24;
	s22 =	sand.u32 $0x3C00, s22  }
0x13: {  	v58 =	vld [tilespmem:s17+$0xFFFFFFE0];
	[tilespmem:s18+$0x2850 ss:$0x81] =	vst.msk $0xffff, v3;
	s21 =	sadd.s32 s23, s21;
	s20 =	sor.u32 s28, s22;
	s22 =	smov.u32 s9  }
0x14: {  	v59 =	vld [tilespmem:s17+$0xFFFFFFF0];
	[tilespmem:s18+$0x3060 ss:$0x81] =	vst.msk $0xffff, v2;
	s24 =	sand.u32 s30, s9;
	s21 =	sshrl.u32 s21, $0xE;
	s22 =	simm.s32 @!p1 $0x2C0  }
0x15: {  	v60 =	vld [tilespmem:s17+$0x0];
	[tilespmem:s18+$0x0 ss:$0x81] =	vst.msk $0xffff, v1;
	p1 =	sgt.s32 s10, $0x3F80;
	s31 =	ssub.s32 s22, s24;
	s22 =	smov.u32 s10  }
0x16: {  	v61 =	vld [tilespmem:s17+$0x10];
	[tilespmem:s19+$0x3870 ss:$0x81] =	vst.msk $0xffff, v0;
	s25 =	smulhi.u32 $0x4EC4ED, s21;
	s24 =	sand.u32 s26, s10;
	s22 =	simm.s32 @!p1 $0x3F80  }
0x17: {  	v62 =	vld [tilespmem:s17+$0x20];
	s20 =	sor.u32 s29, s20;
	[tilespmem:s19+$0x810 ss:$0x81] =	vst.msk $0xffff, v5;
	s27 =	sadd.s32 $0xFFFFFD40, s31;
	s22 =	ssub.s32 s22, s24  }
0x18: {  	v63 =	vld [tilespmem:s17+$0xFFFFFFC0];
	[tilespmem:s19+$0x1020 ss:$0x81] =	vst.msk $0xffff, v58;
	s18 =	ssub.s32 $0x340, s31;
	s28 =	smul.u32 $0x340, s25;
	s29 =	sadd.s32 $0xFFFFC080, s22  }
0x19: {  	[tilespmem:s19+$0x1830 ss:$0x81] =	vst.msk $0xffff, v59;
	p1 =	sgt.s32 s27, $0x7F;
	s22 =	ssub.s32 $0x4000, s22;
	p2 =	sgt.s32 s29, $0x7F  }
0x1a: {  	s30 =	sand.u32 $0x7, s10;
	[tilespmem:s19+$0x2040 ss:$0x81] =	vst.msk $0xffff, v60;
	s18 =	simm.s32 @p1 $0x0;
	s22 =	simm.s32 @p2 $0x0  }
0x1b: {  	s20 =	sshrl.u32 s20, $0x3;
	[tilespmem:s19+$0x2850 ss:$0x81] =	vst.msk $0xffff, v61;
	s17 =	ssub.s32 s21, s28;
	s18 =	smul.u32 s22, s18  }
0x1c: {  	[tilespmem:s19+$0x3060 ss:$0x81] =	vst.msk $0xffff, v62;
	s20 =	sadd.s32 s4, s20;
	s21 =	sshll.u32 s30, $0x12;
	s17 =	sshll.u32 s17, $0xB  }
0x1d: {  	[tilespmem:s19+$0x0 ss:$0x81] =	vst.msk $0xffff, v63;
	s31 =	sor.u32 $0x400, s21;
	s17 =	sadd.s32 s17, s20;
	s18 =	sand.u32 $0x3FFFFFFF, s18  }
0x1e: {  	[hbm4b:s17+s31] =	stream.strided.scatter [tilespmem:s16], [sflag:$0x2], s18, s8, s31, $0x20;
	[tilespmem:$0x10100] =	vst v63  }
.LBB1_5:
0x1f: {  	p1 =	slt.u32 s13, $0x2  }
0x20: {  	s17 =	smov.u32 s15;
	p2 =	sgt.s32 @!p1 s15, $0x2C0;
	s16 =	sshra.s32 @!p1 s15, $0x1F  }
0x21: {  	p3 =	sgt.s32 @!p1 s14, $0x3F80;
	s18 =	sshra.s32 @!p1 s14, $0x1F;
	p2 =	por !p2, p1  }
0x22: {  	s15 =	sand.u32 @!p1 s16, s15;
	p3 =	por !p3, p1;
	s16 =	smov.u32 s14  }
0x23: {  	s14 =	sand.u32 @!p1 s18, s14;
	s17 =	simm.s32 @p2 $0x2C0;
	s16 =	simm.s32 @p3 $0x3F80  }
0x24: {  	s15 =	ssub.s32 @!p1 s17, s15;
	s14 =	ssub.s32 @!p1 s16, s14  }
0x25: {  	s18 =	smov.u32 s12;
	s16 =	sadd.s32 @!p1 $0xFFFFFD40, s15;
	s17 =	sadd.s32 @!p1 $0xFFFFC080, s14  }
0x26: {  	s15 =	ssub.s32 @!p1 $0x340, s15;
	p2 =	sgt.s32 @!p1 s16, $0x7F;
	p3 =	sgt.s32 @!p1 s17, $0x7F  }
0x27: {  	s14 =	ssub.s32 @!p1 $0x4000, s14;
	p2 =	por !p2, p1;
	p3 =	por !p3, p1  }
0x28: {  	s16 =	sadd.s32 $0x80, s11;
	s15 =	simm.s32 @!p2 $0x0;
	s14 =	simm.s32 @!p3 $0x0  }
0x29: {  	p2 =	sgt.s32 s16, $0x33F;
	s14 =	smul.u32 @!p1 s14, s15;
	s15 =	sadd.s32 $0x1000, s12  }
0x2a: {  	s18 =	smov.u32 @p2 s15  }
0x2b: {  	s16 =	simm.s32 @p2 $0x0;
	p2 =	sgt.s32 s18, $0x3FFF  }
0x2c: {  	s18 =	smov.u32 @p2 s2;
	p2 =	sne.s32 s13, s7  }
.Ltmp1:
0x2d: {  	p0 =	por !p0, !p0;
	s17 =	simm.s32 @!p1 $0x2;
	(pc) =	sbr.rel @!p2 .LBB1_6-.Ltmp1, $4  }
0x2e: {  	s15 =	smov.u32 s9;
	s9 =	smov.u32 s11;
	s14 =	sand.u32 @!p1 $0x3FFFFFFF, s14  }
0x2f: {  	s11 =	smov.u32 s16;
	_ =	swait.ge @!p1 [sflag:s17], s14;
	s19 =	ssub.s32 @!p1 $0x0, s14  }
0x30: {  	s14 =	smov.u32 s10;
	s13 =	sadd.s32 $0x1, s13;
	[sflag:s17] =	ssyncset.done @!p1 $0x0  }
0x31: {  	s10 =	smov.u32 s12;
	s12 =	smov.u32 s18;
	[sflag:s17] =	ssyncadd.s32 @!p1 s19  }
.LBB1_1:
0x32: {  	p1 =	sge.u32 s13, s6  }
0x33: {  	s16 =	sshrl.u32 @!p1 s12, $0x3  }
0x34: {  	s17 =	sshll.u32 @!p1 s11, $0x3;
	s16 =	smul.u32 @!p1 $0x1C00, s16  }
0x35: {  	s18 =	sshll.u32 @!p1 s12, $0x7;
	s17 =	sand.u32 @!p1 $0xFFFFFC00, s17  }
0x36: {  	s16 =	sadd.s32 @!p1 s16, s17;
	s17 =	sand.u32 @!p1 $0x380, s18  }
0x37: {  	s16 =	sor.u32 @!p1 s17, s16  }
0x38: {  	s17 =	sshrl.u32 @!p1 s16, $0x7  }
0x39: {  	s17 =	smulhi.u32 @!p1 $0x24924925, s17;
	_ =	sdelay $0x1  }
0x3a: {  	s18 =	sand.u32 @!p1 $0x7F, s11;
	s19 =	smul.u32 @!p1 $0x380, s17  }
0x3b: {  	s31 =	sadd.s32 $0xFFFFFFFF, s13;
	s16 =	sor.u32 @!p1 s18, s16;
	s18 =	sxor.u32 @!p1 $0xFFFFFFFF, s13  }
0x3c: {  	s18 =	sshll.u32 @!p1 s18, $0xE;
	s17 =	sand.u32 @!p1 $0x3FFF, s17;
	s16 =	ssub.s32 @!p1 s16, s19  }
0x3d: {  	s17 =	smul.u32 @!p1 $0x70, s17;
	s19 =	sshrl.u32 @!p1 s16, $0x3;
	s16 =	sand.u32 @!p1 $0x7, s16  }
0x3e: {  	s18 =	sand.u32 @!p1 $0x4000, s18;
	s19 =	sadd.s32 @!p1 s3, s19;
	s16 =	sshll.u32 @!p1 s16, $0x12  }
0x3f: {  	s17 =	sadd.s32 @!p1 s17, s19;
	s16 =	sor.u32 @!p1 $0x400, s16;
	s19 =	simm.s32 @!p1 $0x1C00  }
0x40: {  	[tilespmem:s18], [sflag:$0x1] =	stream.strided.gather @!p1 [hbm4b:s17+s16], $0x4000, s19, s16, $0x38;
	[tilespmem:$0x10100] =	vst v63  }
0x41: {  	p1 =	sge.u32 s31, s6  }
.Ltmp2:
0x42: {  	_ = 	snop;
	(pc) =	sbr.rel @p1 .LBB1_5-.Ltmp2, $1  }
0x43: {  	_ =	sdelay $0x3  }
0x44: {  	s16 =	simm.s32 $0x1  }
0x45: {  	_ =	swait.ge [sflag:s5], $0x4000;
	s16 =	simm.s32 @!p0 $0x0  }
0x46: {  	[sflag:s5] =	ssyncset.done $0x0;
	s17 =	sshll.u32 s16, $0xE  }
0x47: {  	[sflag:s5] =	ssyncadd.s32 $0xFFFFC000;
	s17 =	sor.u32 $0x40, s17  }
0x48: {  	s16 =	smul.u32 $0x10200, s16;
	v0 =	vld [tilespmem:s17+$0x30]  }
0x49: {  	v1 =	vld [tilespmem:s17+$0xFFFFFFD0]  }
0x4a: {  	s16 =	sshrl.u32 s16, $0x2;
	v5 =	vld [tilespmem:s17+$0xFFFFFFE0]  }
0x4b: {  	v6 =	vld [tilespmem:s17+$0xFFFFFFF0];
	s19 =	sor.u32 $0x8000, s16  }
0x4c: {  	s31 =	sand.u32 $0x1, s13;
	v4 =	vld [tilespmem:s17+$0x0];
	s18 =	sadd.s32 $0x0, s19  }
0x4d: {  	v3 =	vld [tilespmem:s17+$0x10];
	s16 =	smul.u32 $0x10200, s31;
	[tilespmem:s18+$0x3870 ss:$0x81] =	vst.msk $0xffff, v0  }
0x4e: {  	v2 =	vld [tilespmem:s17+$0x20];
	[tilespmem:s18+$0x810 ss:$0x81] =	vst.msk $0xffff, v1  }
0x4f: {  	s16 =	sshrl.u32 s16, $0x2;
	v1 =	vld [tilespmem:s17+$0xFFFFFFC0];
	[tilespmem:s18+$0x1020 ss:$0x81] =	vst.msk $0xffff, v5;
	s17 =	sadd.s32 $0x80, s17  }
0x50: {  	s20 =	simm.s32 $0x4;
	s21 =	simm.s32 $0x8;
	s16 =	sor.u32 $0x8000, s16;
	[tilespmem:s18+$0x1830 ss:$0x81] =	vst.msk $0xffff, v6;
	v0 =	vld [tilespmem:s17+$0x30]  }
.LBB1_3:
0x51: {  	p1 =	sne.s32 s21, $0x1FC;
	v5 =	vld [tilespmem:s17+$0xFFFFFFD0];
	[tilespmem:s18+$0x2040 ss:$0x81] =	vst.msk $0xffff, v4  }
0x52: {  	v6 =	vld [tilespmem:s17+$0xFFFFFFE0];
	[tilespmem:s18+$0x2850 ss:$0x81] =	vst.msk $0xffff, v3  }
0x53: {  	s22 =	sshra.s32 s20, $0x2;
	s20 =	smov.u32 s21;
	v7 =	vld [tilespmem:s17+$0xFFFFFFF0];
	[tilespmem:s18+$0x3060 ss:$0x81] =	vst.msk $0xffff, v2  }
.Ltmp3:
0x54: {  	v4 =	vld [tilespmem:s17+$0x0];
	[tilespmem:s18+$0x0 ss:$0x81] =	vst.msk $0xffff, v1;
	s18 =	sadd.s32 s22, s19;
	(pc) =	sbr.rel @p1 .LBB1_3-.Ltmp3, $4  }
0x55: {  	v3 =	vld [tilespmem:s17+$0x10];
	[tilespmem:s18+$0x3870 ss:$0x81] =	vst.msk $0xffff, v0  }
0x56: {  	[tilespmem:s18+$0x810 ss:$0x81] =	vst.msk $0xffff, v5;
	v2 =	vld [tilespmem:s17+$0x20]  }
0x57: {  	v1 =	vld [tilespmem:s17+$0xFFFFFFC0];
	[tilespmem:s18+$0x1020 ss:$0x81] =	vst.msk $0xffff, v6;
	s17 =	sadd.s32 $0x80, s17  }
0x58: {  	s21 =	sadd.s32 $0x4, s21;
	v0 =	vld [tilespmem:s17+$0x30];
	[tilespmem:s18+$0x1830 ss:$0x81] =	vst.msk $0xffff, v7  }
.Ltmp4:
0x59: {  	_ = 	snop;
	(pc) =	sbr.rel .LBB1_4-.Ltmp4, $1  }
0x5a: {  	_ =	sdelay $0x3  }
.LBB1_6:
0x5b: {  	_ =	sfence.sel $0x180000  }
0x5c: {  	s2 =	simm.s32 $0x1;
	[bflag:$0x0] =	sbarrier.arrive $0xFFFF  }
0x5d: {  	s31 =	simm.s32 $0x2;
	[sflag:s2] =	ssyncpa.u1 $0x1  }
0x5e: {  	[sflag:s31] =	ssyncpa.u1 $0x1  }
0x5f: {  	p0 =	sne.s32 s0, $0x0;
	_ =	strace $0x9000004D  }
0x60: {  	s0 =	sadd.s32 @!p0 $0x100000, s1;
	[bflag:$0x2] =	sbarrier.arrive $0xFFFF  }
0x61: {  	[sflag:s0] =	ssyncadd.tile.s32 @!p0 $0x1;
	_ =	shalt  }
.Lfunc_end1:
_tile_overlayer_lowered:
.L_overlay_start_2:
0x62: {  	(tag) =	ssettag $0x2  }
0x63: {  	s0 =	rddreg [dreg:$0x0];
	s2 =	stileid.u32  }
0x64: {  	s1 =	rddreg [dreg:$0x1];
	p0 =	sne.s32 s2, $0x0  }
0x65: {  	s3 =	rddreg [dreg:$0x2];
	[bflag:$0x3] =	sbarrier.arrive $0xFFFF;
	s2 =	simm.s32 @!p0 $0x1C01  }
0x66: {  	[timem:s3], [sflag:s2] =	dma.local @!p0 [hbm:s0], s1  }
0x67: {  	s0 =	simm.s32 @!p0 $0x1  }
0x68: {  	_ =	swait.ge @!p0 [sflag:s0], s1  }
0x69: {  	s1 =	ssub.s32 @!p0 $0x0, s1;
	[sflag:s0] =	ssyncset.done @!p0 $0x0  }
0x6a: {  	[sflag:s0] =	ssyncadd.s32 @!p0 s1  }
0x6b: {  	[bflag:$0x3] =	sbarrier.arrive $0xFFFF  }
0x6c: {  	_ =	shalt  }

</sc_bundles>
